<compile_context>
chip_gen: v7x
topology: tpu7x:2x2x1
jax: 0.10.2.dev20260603
libtpu: 0.0.44.dev20260713+nightly
codegen_flags: <defaults>
</compile_context>

<pallas_src>
import functools

import jax
import jax.numpy as jnp
from jax import lax
from jax.experimental import pallas as pl
from jax.experimental.pallas import tpu as pltpu
from jax.experimental.pallas import tpu_sc as plsc

N = 10000
E = 160000
D_IN = 256
D_OUT = 512
H = 128
NTILES = 16
CHUNK = 112
GRP = 10
NG = 9
NCH = GRP * NG
EPAD = NTILES * CHUNK * NCH
NP = 10016
NP2 = 10240
RPT = NP // NTILES


def _sc_segment_sums(xtab, src2, dst2):
    mesh = plsc.VectorSubcoreMesh(core_axis_name="c", subcore_axis_name="s")

    @functools.partial(
        pl.kernel,
        out_type=[
            jax.ShapeDtypeStruct((2, NP, H), jnp.float32),
            jax.ShapeDtypeStruct((NTILES, NP2), jnp.float32),
        ],
        mesh=mesh,
        compiler_params=pltpu.CompilerParams(use_tc_tiling_on_sc=False,
                                             needs_layout_passes=False),
        scratch_types=[
            pltpu.VMEM((GRP, CHUNK), jnp.int32),
            pltpu.VMEM((GRP, CHUNK), jnp.int32),
            pltpu.VMEM((2, CHUNK, H), jnp.float32),
            pltpu.VMEM((NP2,), jnp.float32),
            pltpu.VMEM_SHARED((NP, H), jnp.float32),
            pltpu.SemaphoreType.DMA,
            pltpu.SemaphoreType.DMA,
        ],
    )
    def seg(xtab_hbm, src_hbm, dst_hbm, sums_hbm, cnt_hbm,
            srcb, dstb, rows, hist, acc_sh, g0, g1):
        c = lax.axis_index("c")
        s = lax.axis_index("s")
        row0 = s * RPT

        zv = jnp.zeros((16,), jnp.float32)
        ov = jnp.ones((16,), jnp.float32)

        @pl.loop(0, CHUNK)
        def _(i):
            @pl.loop(0, H // 16)
            def _(k):
                rows[0, i, pl.ds(k * 16, 16)] = zv

        @pl.loop(0, NP2 // 16)
        def _(i):
            hist[pl.ds(i * 16, 16)] = zv

        @pl.loop(0, RPT // CHUNK)
        def _(r):
            pltpu.sync_copy(rows.at[0], acc_sh.at[pl.ds(row0 + r * CHUNK, CHUNK)])
        rem = RPT - (RPT // CHUNK) * CHUNK
        if rem:
            pltpu.sync_copy(rows.at[0].at[pl.ds(0, rem)],
                            acc_sh.at[pl.ds(row0 + RPT - rem, rem)])

        plsc.subcore_barrier()

        sbase = (c * NTILES + s) * NCH
        dbase = s * NCH

        def gather_start(k, b, sem):
            pltpu.async_copy(xtab_hbm.at[srcb.at[k]], rows.at[b], sem)

        def gather_wait(k, b, sem):
            pltpu.make_async_copy(xtab_hbm.at[srcb.at[k]], rows.at[b], sem).wait()

        def scatter(k, b):
            pltpu.sync_copy(rows.at[b], acc_sh.at[dstb.at[k]], add=True)

        @pl.loop(0, NG)
        def _(g):
            pltpu.sync_copy(src_hbm.at[pl.ds(sbase + g * GRP, GRP)], srcb)
            pltpu.sync_copy(dst_hbm.at[pl.ds(dbase + g * GRP, GRP)], dstb)
            gather_start(0, 0, g0)

            @pl.when(c == 0)
            def _():
                @pl.loop(0, GRP)
                def _(k):
                    @pl.loop(0, CHUNK // 16)
                    def _(i):
                        idxv = dstb[k, pl.ds(i * 16, 16)]
                        plsc.addupdate_scatter(hist, [idxv], ov)

            @pl.loop(0, GRP // 2)
            def _(t):
                k = t * 2
                gather_start(k + 1, 1, g1)
                gather_wait(k, 0, g0)
                scatter(k, 0)

                @pl.when(t < GRP // 2 - 1)
                def _():
                    gather_start(k + 2, 0, g0)

                gather_wait(k + 1, 1, g1)
                scatter(k + 1, 1)

        plsc.subcore_barrier()

        pltpu.sync_copy(acc_sh.at[pl.ds(row0, RPT)],
                        sums_hbm.at[c].at[pl.ds(row0, RPT)])

        @pl.when(c == 0)
        def _():
            pltpu.sync_copy(hist, cnt_hbm.at[s])

    return seg(xtab, src2, dst2)


_BN = 2000


def _tc_cntfold(cnt):
    def body(c_ref, o_ref):
        tot = jnp.sum(c_ref[...], axis=0, keepdims=True)
        r = 1.0 / jnp.maximum(tot, 1.0)
        o_ref[...] = jnp.swapaxes(r, 0, 1)

    return pl.pallas_call(
        body,
        in_specs=[pl.BlockSpec((NTILES, NP2), lambda: (0, 0))],
        out_specs=pl.BlockSpec((NP2, 1), lambda: (0, 0)),
        out_shape=jax.ShapeDtypeStruct((NP2, 1), jnp.float32),
    )(cnt)


def _tc_combine(sums3, rinv, xb, wl0, wl1, wr, b):
    def body(s0_ref, s1_ref, r_ref, x_ref, w0_ref, w1_ref, wr_ref, b_ref,
             o_ref):
        s0 = s0_ref[0]
        s1 = s1_ref[0]
        r = r_ref[...]
        a0 = (s0 * r).astype(jnp.bfloat16)
        a1 = (s1 * r).astype(jnp.bfloat16)
        acc = jnp.dot(a0, w0_ref[...], preferred_element_type=jnp.float32)
        acc = acc + jnp.dot(a1, w1_ref[...], preferred_element_type=jnp.float32)
        acc = acc + jnp.dot(x_ref[...], wr_ref[...],
                            preferred_element_type=jnp.float32)
        o_ref[...] = jnp.maximum(acc + b_ref[...], 0.0)

    return pl.pallas_call(
        body,
        grid=(N // _BN,),
        in_specs=[
            pl.BlockSpec((1, _BN, H), lambda i: (0, i, 0)),
            pl.BlockSpec((1, _BN, H), lambda i: (1, i, 0)),
            pl.BlockSpec((_BN, 1), lambda i: (i, 0)),
            pl.BlockSpec((_BN, D_IN), lambda i: (i, 0)),
            pl.BlockSpec((H, D_OUT), lambda i: (0, 0)),
            pl.BlockSpec((H, D_OUT), lambda i: (0, 0)),
            pl.BlockSpec((D_IN, D_OUT), lambda i: (0, 0)),
            pl.BlockSpec((1, D_OUT), lambda i: (0, 0)),
        ],
        out_specs=pl.BlockSpec((_BN, D_OUT), lambda i: (i, 0)),
        out_shape=jax.ShapeDtypeStruct((N, D_OUT), jnp.float32),
    )(sums3, sums3, rinv, xb, wl0, wl1, wr, b)


def kernel(x, edge_index, W_l, b_l, W_r):
    xtab = x.reshape(2 * N, H)

    src = edge_index[0]
    dst = edge_index[1]
    pad = EPAD - E
    srcp = jnp.concatenate([src, jnp.zeros((pad,), jnp.int32)])
    dstp = jnp.concatenate([dst, jnp.full((pad,), N, jnp.int32)])
    s2 = srcp * 2
    src2 = jnp.concatenate([s2, s2 + 1]).reshape(2 * NTILES * NCH, CHUNK)
    dst2 = dstp.reshape(NTILES * NCH, CHUNK)

    sums, cnt = _sc_segment_sums(xtab, src2, dst2)
    rinv = _tc_cntfold(cnt)

    wlt = W_l.T.astype(jnp.bfloat16)
    out = _tc_combine(sums, rinv, x.astype(jnp.bfloat16),
                      wlt[:H], wlt[H:], W_r.T.astype(jnp.bfloat16),
                      b_l.reshape(1, D_OUT))
    return out

# --- scband reference (transcript-rebuilt; emitter-appended) ---
"""Pipeline reference for scband-sageconv-module-1769526526161 (READ-ONLY COPY).

The authoritative reference and input builder live on the scoring server;
editing this copy changes nothing except your own understanding.
"""

import jax, jax.numpy as jnp
import numpy as np

N = 10000
E = 160000
D_IN = 256
D_OUT = 512


def setup_inputs(seed: int = 0) -> dict:
    key = jax.random.key(seed)
    k1, k2, k3, k4 = jax.random.split(key, 4)
    x = jax.random.normal(k1, (N, D_IN), dtype=jnp.float32)
    edge_index = jax.random.randint(k2, (2, E), 0, N, dtype=jnp.int32)
    # PyG SAGEConv params: lin_l (applied to mean-aggregated neighbors, with bias),
    # lin_r (applied to root/self features, no bias)
    W_l = jax.random.normal(k3, (D_OUT, D_IN), dtype=jnp.float32) * (1.0 / np.sqrt(D_IN))
    b_l = jnp.zeros((D_OUT,), dtype=jnp.float32)
    W_r = jax.random.normal(k4, (D_OUT, D_IN), dtype=jnp.float32) * (1.0 / np.sqrt(D_IN))
    return {"x": x, "edge_index": edge_index, "W_l": W_l, "b_l": b_l, "W_r": W_r}


def reference(x, edge_index, W_l, b_l, W_r):
    # SAGEConv with mean aggregation (PyG default):
    # out = lin_l(mean_{j in N(i)} x_j) + lin_r(x_i), then ReLU (activation='relu')
    src = edge_index[0]
    dst = edge_index[1]
    msgs = jnp.take(x, src, axis=0)                      # gather source features [E, D_IN]
    summed = jax.ops.segment_sum(msgs, dst, num_segments=N)
    cnt = jax.ops.segment_sum(jnp.ones((E,), dtype=x.dtype), dst, num_segments=N)
    agg = summed / jnp.clip(cnt, 1.0)[:, None]           # mean aggregation
    out = agg @ W_l.T + b_l + x @ W_r.T
    return jax.nn.relu(out)

if __name__ == "__main__":
    import jax
    _d = setup_inputs()
    print(jax.jit(kernel)(*tuple(_d.values())))

</pallas_src>

<mosaic_0001>
#map = affine_map<(d0, d1) -> (0, 0)>
#map1 = affine_map<(d0, d1) -> (0, 0, 0)>
module attributes {stable_mosaic.version = 14 : i64} {
  func.func @seg(%arg0: i32, %arg1: i32, %arg2: memref<20000x128xf32, #tpu.memory_space<hbm>>, %arg3: memref<2880x112xi32, #tpu.memory_space<hbm>>, %arg4: memref<1440x112xi32, #tpu.memory_space<hbm>>, %arg5: memref<2x10016x128xf32, #tpu.memory_space<hbm>>, %arg6: memref<16x10240xf32, #tpu.memory_space<hbm>>, %arg7: memref<10x112xi32, #tpu.memory_space<vmem>>, %arg8: memref<10x112xi32, #tpu.memory_space<vmem>>, %arg9: memref<2x112x128xf32, #tpu.memory_space<vmem>>, %arg10: memref<10240xf32, #tpu.memory_space<vmem>>, %arg11: memref<10016x128xf32, #tpu.memory_space<vmem_shared>>, %arg12: memref<!tpu.dma_semaphore, #tpu.memory_space<semaphore_mem>>, %arg13: memref<!tpu.dma_semaphore, #tpu.memory_space<semaphore_mem>>) attributes {dimension_semantics = [#tpu.dimension_semantics<core_parallel>, #tpu.dimension_semantics<subcore_parallel>], iteration_bounds = array<i64: 2, 16>, scalar_prefetch = 0 : i64, scratch_operands = 7 : i64, tpu.core_type = #tpu.core_type<sc_vector_subcore>, window_params = [{transform_indices = #map}, {transform_indices = #map}, {transform_indices = #map}, {transform_indices = #map1}, {transform_indices = #map}]} {
    %mul3A = arith.constant 626 : i32
    %mul3A_0 = arith.muli %arg1, %mul3A : i32
    %broadcast_in_dim3A = arith.constant 0.000000e+00 : f32
    %broadcast_in_dim3A_1 = vector.broadcast %broadcast_in_dim3A : f32 to vector<16xf32>
    %broadcast_in_dim3A_2 = arith.constant 1.000000e+00 : f32
    %broadcast_in_dim3A_3 = vector.broadcast %broadcast_in_dim3A_2 : f32 to vector<16xf32>
    %scan3A = arith.constant 0 : i32
    %scan3A_4 = arith.constant 112 : i32
    %scan3A_5 = arith.addi %scan3A, %scan3A_4 : i32
    %scan3A_6 = arith.constant 1 : i32
    scf.for %scan3A_35 = %scan3A to %scan3A_5 step %scan3A_6  : i32 {
      %mul3A_36 = arith.constant 1 : i32
      %mul3A_37 = arith.muli %scan3A_35, %mul3A_36 : i32
      %add3A_38 = arith.constant 0 : i32
      %add3A_39 = arith.addi %add3A_38, %mul3A_37 : i32
      %scan3A_40 = arith.constant 0 : i32
      %scan3A_41 = arith.constant 8 : i32
      %scan3A_42 = arith.addi %scan3A_40, %scan3A_41 : i32
      %scan3A_43 = arith.constant 1 : i32
      scf.for %scan3A_45 = %scan3A_40 to %scan3A_42 step %scan3A_43  : i32 {
        %mul3A_46 = arith.constant 1 : i32
        %mul3A_47 = arith.muli %scan3A_45, %mul3A_46 : i32
        %add3A_48 = arith.constant 0 : i32
        %add3A_49 = arith.addi %add3A_48, %mul3A_47 : i32
        %mul3A_50 = arith.constant 16 : i32
        %mul3A_51 = arith.muli %add3A_49, %mul3A_50 : i32
        %swap3A = arith.constant 0 : i32
        %swap3A_52 = arith.index_cast %swap3A : i32 to index
        %swap3A_53 = arith.index_cast %add3A_39 : i32 to index
        %swap3A_54 = arith.index_cast %mul3A_51 : i32 to index
        %swap3A_55 = tpu.vector_load %arg9[%swap3A_52, %swap3A_53, %swap3A_54] {strides = array<i32>} : memref<2x112x128xf32, #tpu.memory_space<vmem>>, vector<16xf32>,
        tpu.vector_store %arg9[%swap3A_52, %swap3A_53, %swap3A_54], %broadcast_in_dim3A_1 {strides = array<i32>} : memref<2x112x128xf32, #tpu.memory_space<vmem>>, vector<16xf32>,
      }
      %scan3A_44 = arith.constant 8 : i32
    }
    %scan3A_7 = arith.constant 112 : i32
    %scan3A_8 = arith.constant 0 : i32
    %scan3A_9 = arith.constant 640 : i32
    %scan3A_10 = arith.addi %scan3A_8, %scan3A_9 : i32
    %scan3A_11 = arith.constant 1 : i32
    scf.for %scan3A_35 = %scan3A_8 to %scan3A_10 step %scan3A_11  : i32 {
      %mul3A_36 = arith.constant 1 : i32
      %mul3A_37 = arith.muli %scan3A_35, %mul3A_36 : i32
      %add3A_38 = arith.constant 0 : i32
      %add3A_39 = arith.addi %add3A_38, %mul3A_37 : i32
      %mul3A_40 = arith.constant 16 : i32
      %mul3A_41 = arith.muli %add3A_39, %mul3A_40 : i32
      %swap3A = arith.index_cast %mul3A_41 : i32 to index
      %swap3A_42 = tpu.vector_load %arg10[%swap3A] {strides = array<i32>} : memref<10240xf32, #tpu.memory_space<vmem>>, vector<16xf32>,
      tpu.vector_store %arg10[%swap3A], %broadcast_in_dim3A_1 {strides = array<i32>} : memref<10240xf32, #tpu.memory_space<vmem>>, vector<16xf32>,
    }
    %scan3A_12 = arith.constant 640 : i32
    %scan3A_13 = arith.constant 0 : i32
    %scan3A_14 = arith.constant 5 : i32
    %scan3A_15 = arith.addi %scan3A_13, %scan3A_14 : i32
    %scan3A_16 = arith.constant 1 : i32
    scf.for %scan3A_35 = %scan3A_13 to %scan3A_15 step %scan3A_16  : i32 {
      %mul3A_36 = arith.constant 1 : i32
      %mul3A_37 = arith.muli %scan3A_35, %mul3A_36 : i32
      %add3A_38 = arith.constant 0 : i32
      %add3A_39 = arith.addi %add3A_38, %mul3A_37 : i32
      %mul3A_40 = arith.constant 112 : i32
      %mul3A_41 = arith.muli %add3A_39, %mul3A_40 : i32
      %add3A_42 = arith.addi %mul3A_0, %mul3A_41 : i32
      %run_scoped3A_43 = arith.constant 0 : i32
      "tpu.region"() ({
        %run_scoped3A_44 = tpu.sem_alloc : memref<!tpu.dma_semaphore, #tpu.memory_space<semaphore_mem>>
        %dma_start3A = arith.constant 0 : i32
        %dma_start3A_45 = arith.constant 0 : i32
        %dma_start3A_46 = tpu.memref_slice %arg9[%run_scoped3A_43, %dma_start3A, %dma_start3A_45] : memref<2x112x128xf32, #tpu.memory_space<vmem>> -> memref<1x112x128xf32, #tpu.memory_space<vmem>>
        %dma_start3A_47 = tpu.memref_squeeze %dma_start3A_46 : memref<1x112x128xf32, #tpu.memory_space<vmem>> -> memref<112x128xf32, #tpu.memory_space<vmem>>
        %dma_start3A_48 = arith.constant 0 : i32
        %dma_start3A_49 = tpu.memref_slice %arg11[%add3A_42, %dma_start3A_48] : memref<10016x128xf32, #tpu.memory_space<vmem_shared>> -> memref<112x128xf32, #tpu.memory_space<vmem_shared>>
        %dma_start3A_50 = arith.constant 0 : i32
        %dma_start3A_51 = tpu.memref_slice %arg11[%add3A_42, %dma_start3A_50] : memref<10016x128xf32, #tpu.memory_space<vmem_shared>> -> memref<112x128xf32, #tpu.memory_space<vmem_shared>>
        %dma_start3A_52 = arith.constant 0 : i32
        %dma_start3A_53 = arith.constant 0 : i32
        %dma_start3A_54 = tpu.memref_slice %arg9[%run_scoped3A_43, %dma_start3A_52, %dma_start3A_53] : memref<2x112x128xf32, #tpu.memory_space<vmem>> -> memref<1x112x128xf32, #tpu.memory_space<vmem>>
        %dma_start3A_55 = tpu.memref_squeeze %dma_start3A_54 : memref<1x112x128xf32, #tpu.memory_space<vmem>> -> memref<112x128xf32, #tpu.memory_space<vmem>>
        tpu.enqueue_dma source(%dma_start3A_55 : memref<112x128xf32, #tpu.memory_space<vmem>>) target(%dma_start3A_51 : memref<112x128xf32, #tpu.memory_space<vmem_shared>>) target_semaphore(%run_scoped3A_44 : memref<!tpu.dma_semaphore, #tpu.memory_space<semaphore_mem>>)
        %dma_wait3A = arith.constant 0 : i32
        %dma_wait3A_56 = arith.constant 0 : i32
        %dma_wait3A_57 = tpu.memref_slice %arg9[%run_scoped3A_43, %dma_wait3A, %dma_wait3A_56] : memref<2x112x128xf32, #tpu.memory_space<vmem>> -> memref<1x112x128xf32, #tpu.memory_space<vmem>>
        %dma_wait3A_58 = tpu.memref_squeeze %dma_wait3A_57 : memref<1x112x128xf32, #tpu.memory_space<vmem>> -> memref<112x128xf32, #tpu.memory_space<vmem>>
        %dma_wait3A_59 = arith.constant 0 : i32
        %dma_wait3A_60 = tpu.memref_slice %arg11[%add3A_42, %dma_wait3A_59] : memref<10016x128xf32, #tpu.memory_space<vmem_shared>> -> memref<112x128xf32, #tpu.memory_space<vmem_shared>>
        %dma_wait3A_61 = arith.constant 0 : i32
        %dma_wait3A_62 = tpu.memref_slice %arg11[%add3A_42, %dma_wait3A_61] : memref<10016x128xf32, #tpu.memory_space<vmem_shared>> -> memref<112x128xf32, #tpu.memory_space<vmem_shared>>
        %dma_wait3A_63 = arith.constant 0 : i32
        %dma_wait3A_64 = arith.constant 0 : i32
        %dma_wait3A_65 = tpu.memref_slice %arg9[%run_scoped3A_43, %dma_wait3A_63, %dma_wait3A_64] : memref<2x112x128xf32, #tpu.memory_space<vmem>> -> memref<1x112x128xf32, #tpu.memory_space<vmem>>
        %dma_wait3A_66 = tpu.memref_squeeze %dma_wait3A_65 : memref<1x112x128xf32, #tpu.memory_space<vmem>> -> memref<112x128xf32, #tpu.memory_space<vmem>>
        tpu.wait_dma2 semaphore(%run_scoped3A_44 : memref<!tpu.dma_semaphore, #tpu.memory_space<semaphore_mem>>) src(%dma_wait3A_66 : memref<112x128xf32, #tpu.memory_space<vmem>>) dst(%dma_wait3A_62 : memref<112x128xf32, #tpu.memory_space<vmem_shared>>)
        tpu.yield
      }) : () -> ()
    }
    %scan3A_17 = arith.constant 5 : i32
    %add3A = arith.constant 626 : i32
    %add3A_18 = arith.addi %mul3A_0, %add3A : i32
    %sub3A = arith.constant 66 : i32
    %sub3A_19 = arith.subi %add3A_18, %sub3A : i32
    %run_scoped3A = arith.constant 0 : i32
    "tpu.region"() ({
      %run_scoped3A_35 = tpu.sem_alloc : memref<!tpu.dma_semaphore, #tpu.memory_space<semaphore_mem>>
      %dma_start3A = arith.constant 0 : i32
      %dma_start3A_36 = arith.constant 0 : i32
      %dma_start3A_37 = tpu.memref_slice %arg9[%run_scoped3A, %dma_start3A, %dma_start3A_36] : memref<2x112x128xf32, #tpu.memory_space<vmem>> -> memref<1x112x128xf32, #tpu.memory_space<vmem>>
      %dma_start3A_38 = tpu.memref_squeeze %dma_start3A_37 : memref<1x112x128xf32, #tpu.memory_space<vmem>> -> memref<112x128xf32, #tpu.memory_space<vmem>>
      %dma_start3A_39 = arith.constant 0 : i32
      %dma_start3A_40 = arith.constant 0 : i32
      %dma_start3A_41 = tpu.memref_slice %dma_start3A_38[%dma_start3A_39, %dma_start3A_40] : memref<112x128xf32, #tpu.memory_space<vmem>> -> memref<66x128xf32, #tpu.memory_space<vmem>>
      %dma_start3A_42 = arith.constant 0 : i32
      %dma_start3A_43 = tpu.memref_slice %arg11[%sub3A_19, %dma_start3A_42] : memref<10016x128xf32, #tpu.memory_space<vmem_shared>> -> memref<66x128xf32, #tpu.memory_space<vmem_shared>>
      %dma_start3A_44 = arith.constant 0 : i32
      %dma_start3A_45 = tpu.memref_slice %arg11[%sub3A_19, %dma_start3A_44] : memref<10016x128xf32, #tpu.memory_space<vmem_shared>> -> memref<66x128xf32, #tpu.memory_space<vmem_shared>>
      %dma_start3A_46 = arith.constant 0 : i32
      %dma_start3A_47 = arith.constant 0 : i32
      %dma_start3A_48 = tpu.memref_slice %arg9[%run_scoped3A, %dma_start3A_46, %dma_start3A_47] : memref<2x112x128xf32, #tpu.memory_space<vmem>> -> memref<1x112x128xf32, #tpu.memory_space<vmem>>
      %dma_start3A_49 = tpu.memref_squeeze %dma_start3A_48 : memref<1x112x128xf32, #tpu.memory_space<vmem>> -> memref<112x128xf32, #tpu.memory_space<vmem>>
      %dma_start3A_50 = arith.constant 0 : i32
      %dma_start3A_51 = arith.constant 0 : i32
      %dma_start3A_52 = tpu.memref_slice %dma_start3A_49[%dma_start3A_50, %dma_start3A_51] : memref<112x128xf32, #tpu.memory_space<vmem>> -> memref<66x128xf32, #tpu.memory_space<vmem>>
      tpu.enqueue_dma source(%dma_start3A_52 : memref<66x128xf32, #tpu.memory_space<vmem>>) target(%dma_start3A_45 : memref<66x128xf32, #tpu.memory_space<vmem_shared>>) target_semaphore(%run_scoped3A_35 : memref<!tpu.dma_semaphore, #tpu.memory_space<semaphore_mem>>)
      %dma_wait3A = arith.constant 0 : i32
      %dma_wait3A_53 = arith.constant 0 : i32
      %dma_wait3A_54 = tpu.memref_slice %arg9[%run_scoped3A, %dma_wait3A, %dma_wait3A_53] : memref<2x112x128xf32, #tpu.memory_space<vmem>> -> memref<1x112x128xf32, #tpu.memory_space<vmem>>
      %dma_wait3A_55 = tpu.memref_squeeze %dma_wait3A_54 : memref<1x112x128xf32, #tpu.memory_space<vmem>> -> memref<112x128xf32, #tpu.memory_space<vmem>>
      %dma_wait3A_56 = arith.constant 0 : i32
      %dma_wait3A_57 = arith.constant 0 : i32
      %dma_wait3A_58 = tpu.memref_slice %dma_wait3A_55[%dma_wait3A_56, %dma_wait3A_57] : memref<112x128xf32, #tpu.memory_space<vmem>> -> memref<66x128xf32, #tpu.memory_space<vmem>>
      %dma_wait3A_59 = arith.constant 0 : i32
      %dma_wait3A_60 = tpu.memref_slice %arg11[%sub3A_19, %dma_wait3A_59] : memref<10016x128xf32, #tpu.memory_space<vmem_shared>> -> memref<66x128xf32, #tpu.memory_space<vmem_shared>>
      %dma_wait3A_61 = arith.constant 0 : i32
      %dma_wait3A_62 = tpu.memref_slice %arg11[%sub3A_19, %dma_wait3A_61] : memref<10016x128xf32, #tpu.memory_space<vmem_shared>> -> memref<66x128xf32, #tpu.memory_space<vmem_shared>>
      %dma_wait3A_63 = arith.constant 0 : i32
      %dma_wait3A_64 = arith.constant 0 : i32
      %dma_wait3A_65 = tpu.memref_slice %arg9[%run_scoped3A, %dma_wait3A_63, %dma_wait3A_64] : memref<2x112x128xf32, #tpu.memory_space<vmem>> -> memref<1x112x128xf32, #tpu.memory_space<vmem>>
      %dma_wait3A_66 = tpu.memref_squeeze %dma_wait3A_65 : memref<1x112x128xf32, #tpu.memory_space<vmem>> -> memref<112x128xf32, #tpu.memory_space<vmem>>
      %dma_wait3A_67 = arith.constant 0 : i32
      %dma_wait3A_68 = arith.constant 0 : i32
      %dma_wait3A_69 = tpu.memref_slice %dma_wait3A_66[%dma_wait3A_67, %dma_wait3A_68] : memref<112x128xf32, #tpu.memory_space<vmem>> -> memref<66x128xf32, #tpu.memory_space<vmem>>
      tpu.wait_dma2 semaphore(%run_scoped3A_35 : memref<!tpu.dma_semaphore, #tpu.memory_space<semaphore_mem>>) src(%dma_wait3A_69 : memref<66x128xf32, #tpu.memory_space<vmem>>) dst(%dma_wait3A_62 : memref<66x128xf32, #tpu.memory_space<vmem_shared>>)
      tpu.yield
    }) : () -> ()
    %barrier3A = arith.constant 0 : index
    tpu.barrier barrier_id(%barrier3A)
    %mul3A_20 = arith.constant 16 : i32
    %mul3A_21 = arith.muli %arg0, %mul3A_20 : i32
    %add3A_22 = arith.addi %mul3A_21, %arg1 : i32
    %mul3A_23 = arith.constant 90 : i32
    %mul3A_24 = arith.muli %add3A_22, %mul3A_23 : i32
    %mul3A_25 = arith.constant 90 : i32
    %mul3A_26 = arith.muli %arg1, %mul3A_25 : i32
    %scan3A_27 = arith.constant 0 : i32
    %scan3A_28 = arith.constant 9 : i32
    %scan3A_29 = arith.addi %scan3A_27, %scan3A_28 : i32
    %scan3A_30 = arith.constant 1 : i32
    scf.for %scan3A_35 = %scan3A_27 to %scan3A_29 step %scan3A_30  : i32 {
      %mul3A_36 = arith.constant 1 : i32
      %mul3A_37 = arith.muli %scan3A_35, %mul3A_36 : i32
      %add3A_38 = arith.constant 0 : i32
      %add3A_39 = arith.addi %add3A_38, %mul3A_37 : i32
      %mul3A_40 = arith.constant 10 : i32
      %mul3A_41 = arith.muli %add3A_39, %mul3A_40 : i32
      %add3A_42 = arith.addi %mul3A_24, %mul3A_41 : i32
      "tpu.region"() ({
        %run_scoped3A_67 = tpu.sem_alloc : memref<!tpu.dma_semaphore, #tpu.memory_space<semaphore_mem>>
        %dma_start3A_68 = arith.constant 0 : i32
        %dma_start3A_69 = tpu.memref_slice %arg3[%add3A_42, %dma_start3A_68] : memref<2880x112xi32, #tpu.memory_space<hbm>> -> memref<10x112xi32, #tpu.memory_space<hbm>>
        %dma_start3A_70 = arith.constant 0 : i32
        %dma_start3A_71 = tpu.memref_slice %arg3[%add3A_42, %dma_start3A_70] : memref<2880x112xi32, #tpu.memory_space<hbm>> -> memref<10x112xi32, #tpu.memory_space<hbm>>
        tpu.enqueue_dma source(%dma_start3A_71 : memref<10x112xi32, #tpu.memory_space<hbm>>) target(%arg7 : memref<10x112xi32, #tpu.memory_space<vmem>>) target_semaphore(%run_scoped3A_67 : memref<!tpu.dma_semaphore, #tpu.memory_space<semaphore_mem>>)
        %dma_wait3A = arith.constant 0 : i32
        %dma_wait3A_72 = tpu.memref_slice %arg3[%add3A_42, %dma_wait3A] : memref<2880x112xi32, #tpu.memory_space<hbm>> -> memref<10x112xi32, #tpu.memory_space<hbm>>
        %dma_wait3A_73 = arith.constant 0 : i32
        %dma_wait3A_74 = tpu.memref_slice %arg3[%add3A_42, %dma_wait3A_73] : memref<2880x112xi32, #tpu.memory_space<hbm>> -> memref<10x112xi32, #tpu.memory_space<hbm>>
        tpu.wait_dma2 semaphore(%run_scoped3A_67 : memref<!tpu.dma_semaphore, #tpu.memory_space<semaphore_mem>>) src(%dma_wait3A_74 : memref<10x112xi32, #tpu.memory_space<hbm>>) dst(%arg7 : memref<10x112xi32, #tpu.memory_space<vmem>>)
        tpu.yield
      }) : () -> ()
      %mul3A_43 = arith.constant 10 : i32
      %mul3A_44 = arith.muli %add3A_39, %mul3A_43 : i32
      %add3A_45 = arith.addi %mul3A_26, %mul3A_44 : i32
      "tpu.region"() ({
        %run_scoped3A_67 = tpu.sem_alloc : memref<!tpu.dma_semaphore, #tpu.memory_space<semaphore_mem>>
        %dma_start3A_68 = arith.constant 0 : i32
        %dma_start3A_69 = tpu.memref_slice %arg4[%add3A_45, %dma_start3A_68] : memref<1440x112xi32, #tpu.memory_space<hbm>> -> memref<10x112xi32, #tpu.memory_space<hbm>>
        %dma_start3A_70 = arith.constant 0 : i32
        %dma_start3A_71 = tpu.memref_slice %arg4[%add3A_45, %dma_start3A_70] : memref<1440x112xi32, #tpu.memory_space<hbm>> -> memref<10x112xi32, #tpu.memory_space<hbm>>
        tpu.enqueue_dma source(%dma_start3A_71 : memref<10x112xi32, #tpu.memory_space<hbm>>) target(%arg8 : memref<10x112xi32, #tpu.memory_space<vmem>>) target_semaphore(%run_scoped3A_67 : memref<!tpu.dma_semaphore, #tpu.memory_space<semaphore_mem>>)
        %dma_wait3A = arith.constant 0 : i32
        %dma_wait3A_72 = tpu.memref_slice %arg4[%add3A_45, %dma_wait3A] : memref<1440x112xi32, #tpu.memory_space<hbm>> -> memref<10x112xi32, #tpu.memory_space<hbm>>
        %dma_wait3A_73 = arith.constant 0 : i32
        %dma_wait3A_74 = tpu.memref_slice %arg4[%add3A_45, %dma_wait3A_73] : memref<1440x112xi32, #tpu.memory_space<hbm>> -> memref<10x112xi32, #tpu.memory_space<hbm>>
        tpu.wait_dma2 semaphore(%run_scoped3A_67 : memref<!tpu.dma_semaphore, #tpu.memory_space<semaphore_mem>>) src(%dma_wait3A_74 : memref<10x112xi32, #tpu.memory_space<hbm>>) dst(%arg8 : memref<10x112xi32, #tpu.memory_space<vmem>>)
        tpu.yield
      }) : () -> ()
      %dma_start3A = arith.constant 0 : i32
      %dma_start3A_46 = arith.constant 0 : i32
      %dma_start3A_47 = arith.constant 0 : i32
      %dma_start3A_48 = arith.constant 0 : i32
      %dma_start3A_49 = tpu.memref_slice %arg9[%dma_start3A_46, %dma_start3A_47, %dma_start3A_48] : memref<2x112x128xf32, #tpu.memory_space<vmem>> -> memref<1x112x128xf32, #tpu.memory_space<vmem>>
      %dma_start3A_50 = tpu.memref_squeeze %dma_start3A_49 : memref<1x112x128xf32, #tpu.memory_space<vmem>> -> memref<112x128xf32, #tpu.memory_space<vmem>>
      %dma_start3A_51 = arith.constant 0 : i32
      %dma_start3A_52 = tpu.memref_slice %arg7[%dma_start3A, %dma_start3A_51] : memref<10x112xi32, #tpu.memory_space<vmem>> -> memref<1x112xi32, #tpu.memory_space<vmem>>
      %dma_start3A_53 = tpu.memref_squeeze %dma_start3A_52 : memref<1x112xi32, #tpu.memory_space<vmem>> -> memref<112xi32, #tpu.memory_space<vmem>>
      %dma_start3A_54 = arith.constant 0 : i32
      %dma_start3A_55 = arith.constant 0 : i32
      %dma_start3A_56 = tpu.memref_slice %arg2[%dma_start3A_54, %dma_start3A_55] : memref<20000x128xf32, #tpu.memory_space<hbm>> -> memref<20000x128xf32, #tpu.memory_space<hbm>>
      tpu.enqueue_indirect_dma source(%dma_start3A_56 : memref<20000x128xf32, #tpu.memory_space<hbm>>) target(%dma_start3A_50 : memref<112x128xf32, #tpu.memory_space<vmem>>) offsets(%dma_start3A_53 : memref<112xi32, #tpu.memory_space<vmem>>) semaphore(%arg12 : memref<!tpu.dma_semaphore, #tpu.memory_space<semaphore_mem>>)
      %eq3A_57 = arith.constant 0 : i32
      %eq3A_58 = arith.cmpi eq, %arg0, %eq3A_57 : i32
      %convert_element_type3A_59 = arith.extui %eq3A_58 : i1 to i32
      %cond3A_60 = arith.constant 0 : i32
      %cond3A_61 = arith.cmpi ne, %convert_element_type3A_59, %cond3A_60 : i32
      scf.if %cond3A_61 {
        %scan3A_67 = arith.constant 0 : i32
        %scan3A_68 = arith.constant 10 : i32
        %scan3A_69 = arith.addi %scan3A_67, %scan3A_68 : i32
        %scan3A_70 = arith.constant 1 : i32
        scf.for %scan3A_72 = %scan3A_67 to %scan3A_69 step %scan3A_70  : i32 {
          %mul3A_73 = arith.constant 1 : i32
          %mul3A_74 = arith.muli %scan3A_72, %mul3A_73 : i32
          %add3A_75 = arith.constant 0 : i32
          %add3A_76 = arith.addi %add3A_75, %mul3A_74 : i32
          %scan3A_77 = arith.constant 0 : i32
          %scan3A_78 = arith.constant 7 : i32
          %scan3A_79 = arith.addi %scan3A_77, %scan3A_78 : i32
          %scan3A_80 = arith.constant 1 : i32
          scf.for %scan3A_82 = %scan3A_77 to %scan3A_79 step %scan3A_80  : i32 {
            %mul3A_83 = arith.constant 1 : i32
            %mul3A_84 = arith.muli %scan3A_82, %mul3A_83 : i32
            %add3A_85 = arith.constant 0 : i32
            %add3A_86 = arith.addi %add3A_85, %mul3A_84 : i32
            %mul3A_87 = arith.constant 16 : i32
            %mul3A_88 = arith.muli %add3A_86, %mul3A_87 : i32
            %get3A = arith.index_cast %add3A_76 : i32 to index
            %get3A_89 = arith.index_cast %mul3A_88 : i32 to index
            %get3A_90 = tpu.vector_load %arg8[%get3A, %get3A_89] {strides = array<i32>} : memref<10x112xi32, #tpu.memory_space<vmem>>, vector<16xi32>,
            tpu.vector_store_idx %arg10[%get3A_90], %broadcast_in_dim3A_3 {add = true} : memref<10240xf32, #tpu.memory_space<vmem>>[vector<16xi32>], vector<16xf32>,
          }
          %scan3A_81 = arith.constant 7 : i32
        }
        %scan3A_71 = arith.constant 10 : i32
      } else {
      }
      %scan3A_62 = arith.constant 0 : i32
      %scan3A_63 = arith.constant 5 : i32
      %scan3A_64 = arith.addi %scan3A_62, %scan3A_63 : i32
      %scan3A_65 = arith.constant 1 : i32
      scf.for %scan3A_67 = %scan3A_62 to %scan3A_64 step %scan3A_65  : i32 {
        %mul3A_68 = arith.constant 1 : i32
        %mul3A_69 = arith.muli %scan3A_67, %mul3A_68 : i32
        %add3A_70 = arith.constant 0 : i32
        %add3A_71 = arith.addi %add3A_70, %mul3A_69 : i32
        %mul3A_72 = arith.constant 2 : i32
        %mul3A_73 = arith.muli %add3A_71, %mul3A_72 : i32
        %add3A_74 = arith.constant 1 : i32
        %add3A_75 = arith.addi %mul3A_73, %add3A_74 : i32
        %dma_start3A_76 = arith.constant 1 : i32
        %dma_start3A_77 = arith.constant 0 : i32
        %dma_start3A_78 = arith.constant 0 : i32
        %dma_start3A_79 = tpu.memref_slice %arg9[%dma_start3A_76, %dma_start3A_77, %dma_start3A_78] : memref<2x112x128xf32, #tpu.memory_space<vmem>> -> memref<1x112x128xf32, #tpu.memory_space<vmem>>
        %dma_start3A_80 = tpu.memref_squeeze %dma_start3A_79 : memref<1x112x128xf32, #tpu.memory_space<vmem>> -> memref<112x128xf32, #tpu.memory_space<vmem>>
        %dma_start3A_81 = arith.constant 0 : i32
        %dma_start3A_82 = tpu.memref_slice %arg7[%add3A_75, %dma_start3A_81] : memref<10x112xi32, #tpu.memory_space<vmem>> -> memref<1x112xi32, #tpu.memory_space<vmem>>
        %dma_start3A_83 = tpu.memref_squeeze %dma_start3A_82 : memref<1x112xi32, #tpu.memory_space<vmem>> -> memref<112xi32, #tpu.memory_space<vmem>>
        %dma_start3A_84 = arith.constant 0 : i32
        %dma_start3A_85 = arith.constant 0 : i32
        %dma_start3A_86 = tpu.memref_slice %arg2[%dma_start3A_84, %dma_start3A_85] : memref<20000x128xf32, #tpu.memory_space<hbm>> -> memref<20000x128xf32, #tpu.memory_space<hbm>>
        tpu.enqueue_indirect_dma source(%dma_start3A_86 : memref<20000x128xf32, #tpu.memory_space<hbm>>) target(%dma_start3A_80 : memref<112x128xf32, #tpu.memory_space<vmem>>) offsets(%dma_start3A_83 : memref<112xi32, #tpu.memory_space<vmem>>) semaphore(%arg13 : memref<!tpu.dma_semaphore, #tpu.memory_space<semaphore_mem>>)
        %dma_wait3A = arith.constant 0 : i32
        %dma_wait3A_87 = arith.constant 0 : i32
        %dma_wait3A_88 = arith.constant 0 : i32
        %dma_wait3A_89 = tpu.memref_slice %arg9[%dma_wait3A, %dma_wait3A_87, %dma_wait3A_88] : memref<2x112x128xf32, #tpu.memory_space<vmem>> -> memref<1x112x128xf32, #tpu.memory_space<vmem>>
        %dma_wait3A_90 = tpu.memref_squeeze %dma_wait3A_89 : memref<1x112x128xf32, #tpu.memory_space<vmem>> -> memref<112x128xf32, #tpu.memory_space<vmem>>
        %dma_wait3A_91 = arith.constant 0 : i32
        %dma_wait3A_92 = tpu.memref_slice %arg7[%mul3A_73, %dma_wait3A_91] : memref<10x112xi32, #tpu.memory_space<vmem>> -> memref<1x112xi32, #tpu.memory_space<vmem>>
        %dma_wait3A_93 = tpu.memref_squeeze %dma_wait3A_92 : memref<1x112xi32, #tpu.memory_space<vmem>> -> memref<112xi32, #tpu.memory_space<vmem>>
        %dma_wait3A_94 = arith.constant 0 : i32
        %dma_wait3A_95 = arith.constant 0 : i32
        %dma_wait3A_96 = tpu.memref_slice %arg2[%dma_wait3A_94, %dma_wait3A_95] : memref<20000x128xf32, #tpu.memory_space<hbm>> -> memref<20000x128xf32, #tpu.memory_space<hbm>>
        tpu.wait_indirect_dma semaphore(%arg12 : memref<!tpu.dma_semaphore, #tpu.memory_space<semaphore_mem>>) src(%dma_wait3A_96 : memref<20000x128xf32, #tpu.memory_space<hbm>>) dst(%dma_wait3A_90 : memref<112x128xf32, #tpu.memory_space<vmem>>)
        %run_scoped3A_97 = arith.constant 0 : i32
        "tpu.region"() ({
          %run_scoped3A_118 = tpu.sem_alloc : memref<!tpu.dma_semaphore, #tpu.memory_space<semaphore_mem>>
          %dma_start3A_119 = arith.constant 0 : i32
          %dma_start3A_120 = arith.constant 0 : i32
          %dma_start3A_121 = tpu.memref_slice %arg9[%run_scoped3A_97, %dma_start3A_119, %dma_start3A_120] : memref<2x112x128xf32, #tpu.memory_space<vmem>> -> memref<1x112x128xf32, #tpu.memory_space<vmem>>
          %dma_start3A_122 = tpu.memref_squeeze %dma_start3A_121 : memref<1x112x128xf32, #tpu.memory_space<vmem>> -> memref<112x128xf32, #tpu.memory_space<vmem>>
          %dma_start3A_123 = arith.constant 0 : i32
          %dma_start3A_124 = tpu.memref_slice %arg8[%mul3A_73, %dma_start3A_123] : memref<10x112xi32, #tpu.memory_space<vmem>> -> memref<1x112xi32, #tpu.memory_space<vmem>>
          %dma_start3A_125 = tpu.memref_squeeze %dma_start3A_124 : memref<1x112xi32, #tpu.memory_space<vmem>> -> memref<112xi32, #tpu.memory_space<vmem>>
          %dma_start3A_126 = arith.constant 0 : i32
          %dma_start3A_127 = arith.constant 0 : i32
          %dma_start3A_128 = tpu.memref_slice %arg11[%dma_start3A_126, %dma_start3A_127] : memref<10016x128xf32, #tpu.memory_space<vmem_shared>> -> memref<10016x128xf32, #tpu.memory_space<vmem_shared>>
          tpu.enqueue_indirect_dma source(%dma_start3A_122 : memref<112x128xf32, #tpu.memory_space<vmem>>) target(%dma_start3A_128 : memref<10016x128xf32, #tpu.memory_space<vmem_shared>>) offsets(%dma_start3A_125 : memref<112xi32, #tpu.memory_space<vmem>>) semaphore(%run_scoped3A_118 : memref<!tpu.dma_semaphore, #tpu.memory_space<semaphore_mem>>) {add = true}
          %dma_wait3A_129 = arith.constant 0 : i32
          %dma_wait3A_130 = arith.constant 0 : i32
          %dma_wait3A_131 = tpu.memref_slice %arg9[%run_scoped3A_97, %dma_wait3A_129, %dma_wait3A_130] : memref<2x112x128xf32, #tpu.memory_space<vmem>> -> memref<1x112x128xf32, #tpu.memory_space<vmem>>
          %dma_wait3A_132 = tpu.memref_squeeze %dma_wait3A_131 : memref<1x112x128xf32, #tpu.memory_space<vmem>> -> memref<112x128xf32, #tpu.memory_space<vmem>>
          %dma_wait3A_133 = arith.constant 0 : i32
          %dma_wait3A_134 = tpu.memref_slice %arg8[%mul3A_73, %dma_wait3A_133] : memref<10x112xi32, #tpu.memory_space<vmem>> -> memref<1x112xi32, #tpu.memory_space<vmem>>
          %dma_wait3A_135 = tpu.memref_squeeze %dma_wait3A_134 : memref<1x112xi32, #tpu.memory_space<vmem>> -> memref<112xi32, #tpu.memory_space<vmem>>
          %dma_wait3A_136 = arith.constant 0 : i32
          %dma_wait3A_137 = arith.constant 0 : i32
          %dma_wait3A_138 = tpu.memref_slice %arg11[%dma_wait3A_136, %dma_wait3A_137] : memref<10016x128xf32, #tpu.memory_space<vmem_shared>> -> memref<10016x128xf32, #tpu.memory_space<vmem_shared>>
          tpu.wait_indirect_dma semaphore(%run_scoped3A_118 : memref<!tpu.dma_semaphore, #tpu.memory_space<semaphore_mem>>) src(%dma_wait3A_132 : memref<112x128xf32, #tpu.memory_space<vmem>>) dst(%dma_wait3A_138 : memref<10016x128xf32, #tpu.memory_space<vmem_shared>>)
          tpu.yield
        }) : () -> ()
        %lt3A = arith.constant 4 : i32
        %lt3A_98 = arith.cmpi slt, %add3A_71, %lt3A : i32
        %convert_element_type3A_99 = arith.extui %lt3A_98 : i1 to i32
        %cond3A_100 = arith.constant 0 : i32
        %cond3A_101 = arith.cmpi ne, %convert_element_type3A_99, %cond3A_100 : i32
        scf.if %cond3A_101 {
          %add3A_118 = arith.constant 2 : i32
          %add3A_119 = arith.addi %mul3A_73, %add3A_118 : i32
          %dma_start3A_120 = arith.constant 0 : i32
          %dma_start3A_121 = arith.constant 0 : i32
          %dma_start3A_122 = arith.constant 0 : i32
          %dma_start3A_123 = tpu.memref_slice %arg9[%dma_start3A_120, %dma_start3A_121, %dma_start3A_122] : memref<2x112x128xf32, #tpu.memory_space<vmem>> -> memref<1x112x128xf32, #tpu.memory_space<vmem>>
          %dma_start3A_124 = tpu.memref_squeeze %dma_start3A_123 : memref<1x112x128xf32, #tpu.memory_space<vmem>> -> memref<112x128xf32, #tpu.memory_space<vmem>>
          %dma_start3A_125 = arith.constant 0 : i32
          %dma_start3A_126 = tpu.memref_slice %arg7[%add3A_119, %dma_start3A_125] : memref<10x112xi32, #tpu.memory_space<vmem>> -> memref<1x112xi32, #tpu.memory_space<vmem>>
          %dma_start3A_127 = tpu.memref_squeeze %dma_start3A_126 : memref<1x112xi32, #tpu.memory_space<vmem>> -> memref<112xi32, #tpu.memory_space<vmem>>
          %dma_start3A_128 = arith.constant 0 : i32
          %dma_start3A_129 = arith.constant 0 : i32
          %dma_start3A_130 = tpu.memref_slice %arg2[%dma_start3A_128, %dma_start3A_129] : memref<20000x128xf32, #tpu.memory_space<hbm>> -> memref<20000x128xf32, #tpu.memory_space<hbm>>
          tpu.enqueue_indirect_dma source(%dma_start3A_130 : memref<20000x128xf32, #tpu.memory_space<hbm>>) target(%dma_start3A_124 : memref<112x128xf32, #tpu.memory_space<vmem>>) offsets(%dma_start3A_127 : memref<112xi32, #tpu.memory_space<vmem>>) semaphore(%arg12 : memref<!tpu.dma_semaphore, #tpu.memory_space<semaphore_mem>>)
        } else {
        }
        %add3A_102 = arith.constant 1 : i32
        %add3A_103 = arith.addi %mul3A_73, %add3A_102 : i32
        %dma_wait3A_104 = arith.constant 1 : i32
        %dma_wait3A_105 = arith.constant 0 : i32
        %dma_wait3A_106 = arith.constant 0 : i32
        %dma_wait3A_107 = tpu.memref_slice %arg9[%dma_wait3A_104, %dma_wait3A_105, %dma_wait3A_106] : memref<2x112x128xf32, #tpu.memory_space<vmem>> -> memref<1x112x128xf32, #tpu.memory_space<vmem>>
        %dma_wait3A_108 = tpu.memref_squeeze %dma_wait3A_107 : memref<1x112x128xf32, #tpu.memory_space<vmem>> -> memref<112x128xf32, #tpu.memory_space<vmem>>
        %dma_wait3A_109 = arith.constant 0 : i32
        %dma_wait3A_110 = tpu.memref_slice %arg7[%add3A_103, %dma_wait3A_109] : memref<10x112xi32, #tpu.memory_space<vmem>> -> memref<1x112xi32, #tpu.memory_space<vmem>>
        %dma_wait3A_111 = tpu.memref_squeeze %dma_wait3A_110 : memref<1x112xi32, #tpu.memory_space<vmem>> -> memref<112xi32, #tpu.memory_space<vmem>>
        %dma_wait3A_112 = arith.constant 0 : i32
        %dma_wait3A_113 = arith.constant 0 : i32
        %dma_wait3A_114 = tpu.memref_slice %arg2[%dma_wait3A_112, %dma_wait3A_113] : memref<20000x128xf32, #tpu.memory_space<hbm>> -> memref<20000x128xf32, #tpu.memory_space<hbm>>
        tpu.wait_indirect_dma semaphore(%arg13 : memref<!tpu.dma_semaphore, #tpu.memory_space<semaphore_mem>>) src(%dma_wait3A_114 : memref<20000x128xf32, #tpu.memory_space<hbm>>) dst(%dma_wait3A_108 : memref<112x128xf32, #tpu.memory_space<vmem>>)
        %add3A_115 = arith.constant 1 : i32
        %add3A_116 = arith.addi %mul3A_73, %add3A_115 : i32
        %run_scoped3A_117 = arith.constant 1 : i32
        "tpu.region"() ({
          %run_scoped3A_118 = tpu.sem_alloc : memref<!tpu.dma_semaphore, #tpu.memory_space<semaphore_mem>>
          %dma_start3A_119 = arith.constant 0 : i32
          %dma_start3A_120 = arith.constant 0 : i32
          %dma_start3A_121 = tpu.memref_slice %arg9[%run_scoped3A_117, %dma_start3A_119, %dma_start3A_120] : memref<2x112x128xf32, #tpu.memory_space<vmem>> -> memref<1x112x128xf32, #tpu.memory_space<vmem>>
          %dma_start3A_122 = tpu.memref_squeeze %dma_start3A_121 : memref<1x112x128xf32, #tpu.memory_space<vmem>> -> memref<112x128xf32, #tpu.memory_space<vmem>>
          %dma_start3A_123 = arith.constant 0 : i32
          %dma_start3A_124 = tpu.memref_slice %arg8[%add3A_116, %dma_start3A_123] : memref<10x112xi32, #tpu.memory_space<vmem>> -> memref<1x112xi32, #tpu.memory_space<vmem>>
          %dma_start3A_125 = tpu.memref_squeeze %dma_start3A_124 : memref<1x112xi32, #tpu.memory_space<vmem>> -> memref<112xi32, #tpu.memory_space<vmem>>
          %dma_start3A_126 = arith.constant 0 : i32
          %dma_start3A_127 = arith.constant 0 : i32
          %dma_start3A_128 = tpu.memref_slice %arg11[%dma_start3A_126, %dma_start3A_127] : memref<10016x128xf32, #tpu.memory_space<vmem_shared>> -> memref<10016x128xf32, #tpu.memory_space<vmem_shared>>
          tpu.enqueue_indirect_dma source(%dma_start3A_122 : memref<112x128xf32, #tpu.memory_space<vmem>>) target(%dma_start3A_128 : memref<10016x128xf32, #tpu.memory_space<vmem_shared>>) offsets(%dma_start3A_125 : memref<112xi32, #tpu.memory_space<vmem>>) semaphore(%run_scoped3A_118 : memref<!tpu.dma_semaphore, #tpu.memory_space<semaphore_mem>>) {add = true}
          %dma_wait3A_129 = arith.constant 0 : i32
          %dma_wait3A_130 = arith.constant 0 : i32
          %dma_wait3A_131 = tpu.memref_slice %arg9[%run_scoped3A_117, %dma_wait3A_129, %dma_wait3A_130] : memref<2x112x128xf32, #tpu.memory_space<vmem>> -> memref<1x112x128xf32, #tpu.memory_space<vmem>>
          %dma_wait3A_132 = tpu.memref_squeeze %dma_wait3A_131 : memref<1x112x128xf32, #tpu.memory_space<vmem>> -> memref<112x128xf32, #tpu.memory_space<vmem>>
          %dma_wait3A_133 = arith.constant 0 : i32
          %dma_wait3A_134 = tpu.memref_slice %arg8[%add3A_116, %dma_wait3A_133] : memref<10x112xi32, #tpu.memory_space<vmem>> -> memref<1x112xi32, #tpu.memory_space<vmem>>
          %dma_wait3A_135 = tpu.memref_squeeze %dma_wait3A_134 : memref<1x112xi32, #tpu.memory_space<vmem>> -> memref<112xi32, #tpu.memory_space<vmem>>
          %dma_wait3A_136 = arith.constant 0 : i32
          %dma_wait3A_137 = arith.constant 0 : i32
          %dma_wait3A_138 = tpu.memref_slice %arg11[%dma_wait3A_136, %dma_wait3A_137] : memref<10016x128xf32, #tpu.memory_space<vmem_shared>> -> memref<10016x128xf32, #tpu.memory_space<vmem_shared>>
          tpu.wait_indirect_dma semaphore(%run_scoped3A_118 : memref<!tpu.dma_semaphore, #tpu.memory_space<semaphore_mem>>) src(%dma_wait3A_132 : memref<112x128xf32, #tpu.memory_space<vmem>>) dst(%dma_wait3A_138 : memref<10016x128xf32, #tpu.memory_space<vmem_shared>>)
          tpu.yield
        }) : () -> ()
      }
      %scan3A_66 = arith.constant 5 : i32
    }
    %scan3A_31 = arith.constant 9 : i32
    %barrier3A_32 = arith.constant 0 : index
    tpu.barrier barrier_id(%barrier3A_32)
    "tpu.region"() ({
      %run_scoped3A_35 = tpu.sem_alloc : memref<!tpu.dma_semaphore, #tpu.memory_space<semaphore_mem>>
      %dma_start3A = arith.constant 0 : i32
      %dma_start3A_36 = arith.constant 0 : i32
      %dma_start3A_37 = tpu.memref_slice %arg5[%arg0, %dma_start3A, %dma_start3A_36] : memref<2x10016x128xf32, #tpu.memory_space<hbm>> -> memref<1x10016x128xf32, #tpu.memory_space<hbm>>
      %dma_start3A_38 = tpu.memref_squeeze %dma_start3A_37 : memref<1x10016x128xf32, #tpu.memory_space<hbm>> -> memref<10016x128xf32, #tpu.memory_space<hbm>>
      %dma_start3A_39 = arith.constant 0 : i32
      %dma_start3A_40 = tpu.memref_slice %dma_start3A_38[%mul3A_0, %dma_start3A_39] : memref<10016x128xf32, #tpu.memory_space<hbm>> -> memref<626x128xf32, #tpu.memory_space<hbm>>
      %dma_start3A_41 = arith.constant 0 : i32
      %dma_start3A_42 = tpu.memref_slice %arg11[%mul3A_0, %dma_start3A_41] : memref<10016x128xf32, #tpu.memory_space<vmem_shared>> -> memref<626x128xf32, #tpu.memory_space<vmem_shared>>
      tpu.enqueue_dma source(%dma_start3A_42 : memref<626x128xf32, #tpu.memory_space<vmem_shared>>) target(%dma_start3A_40 : memref<626x128xf32, #tpu.memory_space<hbm>>) target_semaphore(%run_scoped3A_35 : memref<!tpu.dma_semaphore, #tpu.memory_space<semaphore_mem>>)
      %dma_wait3A = arith.constant 0 : i32
      %dma_wait3A_43 = arith.constant 0 : i32
      %dma_wait3A_44 = tpu.memref_slice %arg5[%arg0, %dma_wait3A, %dma_wait3A_43] : memref<2x10016x128xf32, #tpu.memory_space<hbm>> -> memref<1x10016x128xf32, #tpu.memory_space<hbm>>
      %dma_wait3A_45 = tpu.memref_squeeze %dma_wait3A_44 : memref<1x10016x128xf32, #tpu.memory_space<hbm>> -> memref<10016x128xf32, #tpu.memory_space<hbm>>
      %dma_wait3A_46 = arith.constant 0 : i32
      %dma_wait3A_47 = tpu.memref_slice %dma_wait3A_45[%mul3A_0, %dma_wait3A_46] : memref<10016x128xf32, #tpu.memory_space<hbm>> -> memref<626x128xf32, #tpu.memory_space<hbm>>
      %dma_wait3A_48 = arith.constant 0 : i32
      %dma_wait3A_49 = tpu.memref_slice %arg11[%mul3A_0, %dma_wait3A_48] : memref<10016x128xf32, #tpu.memory_space<vmem_shared>> -> memref<626x128xf32, #tpu.memory_space<vmem_shared>>
      tpu.wait_dma2 semaphore(%run_scoped3A_35 : memref<!tpu.dma_semaphore, #tpu.memory_space<semaphore_mem>>) src(%dma_wait3A_49 : memref<626x128xf32, #tpu.memory_space<vmem_shared>>) dst(%dma_wait3A_47 : memref<626x128xf32, #tpu.memory_space<hbm>>)
      tpu.yield
    }) : () -> ()
    %eq3A = arith.constant 0 : i32
    %eq3A_33 = arith.cmpi eq, %arg0, %eq3A : i32
    %convert_element_type3A = arith.extui %eq3A_33 : i1 to i32
    %cond3A = arith.constant 0 : i32
    %cond3A_34 = arith.cmpi ne, %convert_element_type3A, %cond3A : i32
    scf.if %cond3A_34 {
      "tpu.region"() ({
        %run_scoped3A_35 = tpu.sem_alloc : memref<!tpu.dma_semaphore, #tpu.memory_space<semaphore_mem>>
        %dma_start3A = arith.constant 0 : i32
        %dma_start3A_36 = tpu.memref_slice %arg6[%arg1, %dma_start3A] : memref<16x10240xf32, #tpu.memory_space<hbm>> -> memref<1x10240xf32, #tpu.memory_space<hbm>>
        %dma_start3A_37 = tpu.memref_squeeze %dma_start3A_36 : memref<1x10240xf32, #tpu.memory_space<hbm>> -> memref<10240xf32, #tpu.memory_space<hbm>>
        %dma_start3A_38 = arith.constant 0 : i32
        %dma_start3A_39 = tpu.memref_slice %arg6[%arg1, %dma_start3A_38] : memref<16x10240xf32, #tpu.memory_space<hbm>> -> memref<1x10240xf32, #tpu.memory_space<hbm>>
        %dma_start3A_40 = tpu.memref_squeeze %dma_start3A_39 : memref<1x10240xf32, #tpu.memory_space<hbm>> -> memref<10240xf32, #tpu.memory_space<hbm>>
        tpu.enqueue_dma source(%arg10 : memref<10240xf32, #tpu.memory_space<vmem>>) target(%dma_start3A_40 : memref<10240xf32, #tpu.memory_space<hbm>>) target_semaphore(%run_scoped3A_35 : memref<!tpu.dma_semaphore, #tpu.memory_space<semaphore_mem>>)
        %dma_wait3A = arith.constant 0 : i32
        %dma_wait3A_41 = tpu.memref_slice %arg6[%arg1, %dma_wait3A] : memref<16x10240xf32, #tpu.memory_space<hbm>> -> memref<1x10240xf32, #tpu.memory_space<hbm>>
        %dma_wait3A_42 = tpu.memref_squeeze %dma_wait3A_41 : memref<1x10240xf32, #tpu.memory_space<hbm>> -> memref<10240xf32, #tpu.memory_space<hbm>>
        %dma_wait3A_43 = arith.constant 0 : i32
        %dma_wait3A_44 = tpu.memref_slice %arg6[%arg1, %dma_wait3A_43] : memref<16x10240xf32, #tpu.memory_space<hbm>> -> memref<1x10240xf32, #tpu.memory_space<hbm>>
        %dma_wait3A_45 = tpu.memref_squeeze %dma_wait3A_44 : memref<1x10240xf32, #tpu.memory_space<hbm>> -> memref<10240xf32, #tpu.memory_space<hbm>>
        tpu.wait_dma2 semaphore(%run_scoped3A_35 : memref<!tpu.dma_semaphore, #tpu.memory_space<semaphore_mem>>) src(%arg10 : memref<10240xf32, #tpu.memory_space<vmem>>) dst(%dma_wait3A_45 : memref<10240xf32, #tpu.memory_space<hbm>>)
        tpu.yield
      }) : () -> ()
    } else {
    }
    return
  }
}

module attributes {stable_mosaic.version = 14 : i64} {
  func.func @body(%arg0: memref<16x10240xf32, #tpu.memory_space<vmem>>, %arg1: memref<10240x1xf32, #tpu.memory_space<vmem>>) attributes {dimension_semantics = [], scalar_prefetch = 0 : i64, scratch_operands = 0 : i64, tpu.core_type = #tpu.core_type<tc>} {
    %get3A = arith.constant 0 : index
    %get3A_0 = arith.constant 0 : index
    %get3A_1 = vector.load %arg0[%get3A, %get3A_0] : memref<16x10240xf32, #tpu.memory_space<vmem>>, vector<16x10240xf32>
    %reduce_sum3A = arith.constant dense<0.000000e+00> : vector<10240xf32>
    %reduce_sum3A_2 = vector.multi_reduction <add>, %get3A_1, %reduce_sum3A [0] : vector<16x10240xf32> to vector<10240xf32>
    %broadcast_in_dim3A = vector.shape_cast %reduce_sum3A_2 : vector<10240xf32> to vector<1x10240xf32>
    %max3A = arith.constant 1.000000e+00 : f32
    %max3A_3 = vector.broadcast %max3A : f32 to vector<1x10240xf32>
    %max3A_4 = arith.maximumf %broadcast_in_dim3A, %max3A_3 : vector<1x10240xf32>
    %div3A = arith.constant 1.000000e+00 : f32
    %div3A_5 = vector.broadcast %div3A : f32 to vector<1x10240xf32>
    %div3A_6 = arith.divf %div3A_5, %max3A_4 : vector<1x10240xf32>
    %transpose3A = tpu.transpose %div3A_6, [1, 0] : vector<1x10240xf32> -> vector<10240x1xf32>
    %swap3A = arith.constant 0 : index
    %swap3A_7 = arith.constant 0 : index
    %swap3A_8 = vector.load %arg1[%swap3A, %swap3A_7] : memref<10240x1xf32, #tpu.memory_space<vmem>>, vector<10240x1xf32>
    tpu.vector_store %arg1[%swap3A, %swap3A_7], %transpose3A {strides = array<i32>} : memref<10240x1xf32, #tpu.memory_space<vmem>>, vector<10240x1xf32>,
    return
  }
}

module attributes {stable_mosaic.version = 14 : i64} {
  func.func @body(%arg0: i32, %arg1: memref<1x2000x128xf32, #tpu.memory_space<vmem>>, %arg2: memref<1x2000x128xf32, #tpu.memory_space<vmem>>, %arg3: memref<2000x1xf32, #tpu.memory_space<vmem>>, %arg4: memref<2000x256xbf16, #tpu.memory_space<vmem>>, %arg5: memref<128x512xbf16, #tpu.memory_space<vmem>>, %arg6: memref<128x512xbf16, #tpu.memory_space<vmem>>, %arg7: memref<256x512xbf16, #tpu.memory_space<vmem>>, %arg8: memref<1x512xf32, #tpu.memory_space<vmem>>, %arg9: memref<2000x512xf32, #tpu.memory_space<vmem>>) attributes {dimension_semantics = [#tpu.dimension_semantics<arbitrary>], iteration_bounds = array<i64: 5>, scalar_prefetch = 0 : i64, scratch_operands = 0 : i64, tpu.core_type = #tpu.core_type<tc>, window_params = [{transform_indices = @transform_0, window_bounds = array<i64: 1, 2000, 128>}, {transform_indices = @transform_1, window_bounds = array<i64: 1, 2000, 128>}, {transform_indices = @transform_2, window_bounds = array<i64: 2000, 1>}, {transform_indices = @transform_3, window_bounds = array<i64: 2000, 256>}, {pipeline_mode = #tpu.pipeline_mode<synchronous>, transform_indices = @transform_4, window_bounds = array<i64: 128, 512>}, {pipeline_mode = #tpu.pipeline_mode<synchronous>, transform_indices = @transform_5, window_bounds = array<i64: 128, 512>}, {pipeline_mode = #tpu.pipeline_mode<synchronous>, transform_indices = @transform_6, window_bounds = array<i64: 256, 512>}, {pipeline_mode = #tpu.pipeline_mode<synchronous>, transform_indices = @transform_7, window_bounds = array<i64: 1, 512>}, {transform_indices = @transform_8, window_bounds = array<i64: 2000, 512>}]} {
    %get3A = arith.constant 0 : index
    %get3A_0 = arith.constant 0 : index
    %get3A_1 = arith.constant 0 : index
    %get3A_2 = vector.load %arg1[%get3A, %get3A_0, %get3A_1] : memref<1x2000x128xf32, #tpu.memory_space<vmem>>, vector<1x2000x128xf32>
    %get3A_3 = vector.shape_cast %get3A_2 : vector<1x2000x128xf32> to vector<2000x128xf32>
    %get3A_4 = arith.constant 0 : index
    %get3A_5 = arith.constant 0 : index
    %get3A_6 = arith.constant 0 : index
    %get3A_7 = vector.load %arg2[%get3A_4, %get3A_5, %get3A_6] : memref<1x2000x128xf32, #tpu.memory_space<vmem>>, vector<1x2000x128xf32>
    %get3A_8 = vector.shape_cast %get3A_7 : vector<1x2000x128xf32> to vector<2000x128xf32>
    %get3A_9 = arith.constant 0 : index
    %get3A_10 = arith.constant 0 : index
    %get3A_11 = vector.load %arg3[%get3A_9, %get3A_10] : memref<2000x1xf32, #tpu.memory_space<vmem>>, vector<2000x1xf32>
    %mul3A = vector.broadcast %get3A_11 : vector<2000x1xf32> to vector<2000x128xf32>
    %mul3A_12 = arith.mulf %get3A_3, %mul3A : vector<2000x128xf32>
    %convert_element_type3A = arith.truncf %mul3A_12 : vector<2000x128xf32> to vector<2000x128xbf16>
    %mul3A_13 = vector.broadcast %get3A_11 : vector<2000x1xf32> to vector<2000x128xf32>
    %mul3A_14 = arith.mulf %get3A_8, %mul3A_13 : vector<2000x128xf32>
    %convert_element_type3A_15 = arith.truncf %mul3A_14 : vector<2000x128xf32> to vector<2000x128xbf16>
    %get3A_16 = arith.constant 0 : index
    %get3A_17 = arith.constant 0 : index
    %get3A_18 = vector.load %arg5[%get3A_16, %get3A_17] : memref<128x512xbf16, #tpu.memory_space<vmem>>, vector<128x512xbf16>
    %dot_general3A = arith.constant dense<0.000000e+00> : vector<2000x512xf32>
    %dot_general3A_19 = tpu.matmul %convert_element_type3A, %get3A_18, %dot_general3A {dimension_numbers = #tpu.dot_dimension_numbers<[1], [0], [0], [1], [0, 0, 1, 1], [], []>, transpose_lhs_hint = false} : vector<2000x128xbf16>, vector<128x512xbf16>, vector<2000x512xf32> -> vector<2000x512xf32>
    %get3A_20 = arith.constant 0 : index
    %get3A_21 = arith.constant 0 : index
    %get3A_22 = vector.load %arg6[%get3A_20, %get3A_21] : memref<128x512xbf16, #tpu.memory_space<vmem>>, vector<128x512xbf16>
    %dot_general3A_23 = arith.constant dense<0.000000e+00> : vector<2000x512xf32>
    %dot_general3A_24 = tpu.matmul %convert_element_type3A_15, %get3A_22, %dot_general3A_23 {dimension_numbers = #tpu.dot_dimension_numbers<[1], [0], [0], [1], [0, 0, 1, 1], [], []>, transpose_lhs_hint = false} : vector<2000x128xbf16>, vector<128x512xbf16>, vector<2000x512xf32> -> vector<2000x512xf32>
    %add3A = arith.addf %dot_general3A_19, %dot_general3A_24 : vector<2000x512xf32>
    %get3A_25 = arith.constant 0 : index
    %get3A_26 = arith.constant 0 : index
    %get3A_27 = vector.load %arg4[%get3A_25, %get3A_26] : memref<2000x256xbf16, #tpu.memory_space<vmem>>, vector<2000x256xbf16>
    %get3A_28 = arith.constant 0 : index
    %get3A_29 = arith.constant 0 : index
    %get3A_30 = vector.load %arg7[%get3A_28, %get3A_29] : memref<256x512xbf16, #tpu.memory_space<vmem>>, vector<256x512xbf16>
    %dot_general3A_31 = arith.constant dense<0.000000e+00> : vector<2000x512xf32>
    %dot_general3A_32 = tpu.matmul %get3A_27, %get3A_30, %dot_general3A_31 {dimension_numbers = #tpu.dot_dimension_numbers<[1], [0], [0], [1], [0, 0, 1, 1], [], []>, transpose_lhs_hint = false} : vector<2000x256xbf16>, vector<256x512xbf16>, vector<2000x512xf32> -> vector<2000x512xf32>
    %add3A_33 = arith.addf %add3A, %dot_general3A_32 : vector<2000x512xf32>
    %get3A_34 = arith.constant 0 : index
    %get3A_35 = arith.constant 0 : index
    %get3A_36 = vector.load %arg8[%get3A_34, %get3A_35] : memref<1x512xf32, #tpu.memory_space<vmem>>, vector<1x512xf32>
    %add3A_37 = vector.broadcast %get3A_36 : vector<1x512xf32> to vector<2000x512xf32>
    %add3A_38 = arith.addf %add3A_33, %add3A_37 : vector<2000x512xf32>
    %max3A = arith.constant 0.000000e+00 : f32
    %max3A_39 = vector.broadcast %max3A : f32 to vector<2000x512xf32>
    %max3A_40 = arith.maximumf %add3A_38, %max3A_39 : vector<2000x512xf32>
    %swap3A = arith.constant 0 : index
    %swap3A_41 = arith.constant 0 : index
    %swap3A_42 = vector.load %arg9[%swap3A, %swap3A_41] : memref<2000x512xf32, #tpu.memory_space<vmem>>, vector<2000x512xf32>
    tpu.vector_store %arg9[%swap3A, %swap3A_41], %max3A_40 {strides = array<i32>} : memref<2000x512xf32, #tpu.memory_space<vmem>>, vector<2000x512xf32>,
    return
  }
  func.func @transform_0(%arg0: i32) -> (i32, i32, i32) {
    %c0_i32 = arith.constant 0 : i32
    %c0_i32_0 = arith.constant 0 : i32
    %c0_i32_1 = arith.constant 0 : i32
    return %c0_i32, %arg0, %c0_i32_0 : i32, i32, i32
  }
  func.func @transform_1(%arg0: i32) -> (i32, i32, i32) {
    %c1_i32 = arith.constant 1 : i32
    %c0_i32 = arith.constant 0 : i32
    %c0_i32_0 = arith.constant 0 : i32
    return %c1_i32, %arg0, %c0_i32 : i32, i32, i32
  }
  func.func @transform_2(%arg0: i32) -> (i32, i32) {
    %c0_i32 = arith.constant 0 : i32
    %c0_i32_0 = arith.constant 0 : i32
    return %arg0, %c0_i32 : i32, i32
  }
  func.func @transform_3(%arg0: i32) -> (i32, i32) {
    %c0_i32 = arith.constant 0 : i32
    %c0_i32_0 = arith.constant 0 : i32
    return %arg0, %c0_i32 : i32, i32
  }
  func.func @transform_4(%arg0: i32) -> (i32, i32) {
    %c0_i32 = arith.constant 0 : i32
    %c0_i32_0 = arith.constant 0 : i32
    %c0_i32_1 = arith.constant 0 : i32
    return %c0_i32, %c0_i32_0 : i32, i32
  }
  func.func @transform_5(%arg0: i32) -> (i32, i32) {
    %c0_i32 = arith.constant 0 : i32
    %c0_i32_0 = arith.constant 0 : i32
    %c0_i32_1 = arith.constant 0 : i32
    return %c0_i32, %c0_i32_0 : i32, i32
  }
  func.func @transform_6(%arg0: i32) -> (i32, i32) {
    %c0_i32 = arith.constant 0 : i32
    %c0_i32_0 = arith.constant 0 : i32
    %c0_i32_1 = arith.constant 0 : i32
    return %c0_i32, %c0_i32_0 : i32, i32
  }
  func.func @transform_7(%arg0: i32) -> (i32, i32) {
    %c0_i32 = arith.constant 0 : i32
    %c0_i32_0 = arith.constant 0 : i32
    %c0_i32_1 = arith.constant 0 : i32
    return %c0_i32, %c0_i32_0 : i32, i32
  }
  func.func @transform_8(%arg0: i32) -> (i32, i32) {
    %c0_i32 = arith.constant 0 : i32
    %c0_i32_0 = arith.constant 0 : i32
    return %arg0, %c0_i32 : i32, i32
  }
}

</mosaic_0001>

<sc_bundles>
// kernel: kernel.5.cloned.1.call-start
scs
__scs_entry_jumppad:
0x0: {  	(pc) =	sbr.rel $0x88, $3  }
0x1: {  	(tag) =	ssettag $0x0;
	lr =	simm.s32 $0x1  }
0x2: {  	[smem:$0x3F9C] =	sst lr;
	_ =	strace $0xD0000000  }
0x3: {  	_ = 	snop  }
0x4: {  	_ = 	snop  }
0x5: {  	_ = 	snop  }
0x6: {  	_ = 	snop  }
0x7: {  	_ = 	snop  }
__scs_overlays_trampoline_lowered:
0x8: {  	[smem:$0x3FAB] =	sst s0  }
0x9: {  	[smem:$0x3FAC] =	sst s1  }
0xa: {  	[smem:$0x3FAD] =	sst s2  }
0xb: {  	[smem:$0x3FAE] =	sst s3  }
0xc: {  	[smem:$0x3FAF] =	sst s4  }
0xd: {  	[smem:$0x3FB0] =	sst s5  }
0xe: {  	[smem:$0x3FB1] =	sst s6  }
0xf: {  	[smem:$0x3FB2] =	sst s7  }
0x10: {  	[smem:$0x3FB3] =	sst s8  }
0x11: {  	[smem:$0x3FB4] =	sst s9;
	s0 =	simm.s32 @!p0 $0x0  }
0x12: {  	s1 =	sld [smem:$0x3F9A];
	s0 =	simm.s32 @p0 $0x1  }
0x13: {  	[smem:$0x3FB5] =	sst s0;
	s0 =	simm.s32 @!p1 $0x0  }
0x14: {  	s2 =	sld [smem:$0x3F99];
	s0 =	simm.s32 @p1 $0x1  }
0x15: {  	[smem:$0x3FB6] =	sst s0;
	s0 =	simm.s32 @!p2 $0x0  }
0x16: {  	s3 =	sld [smem:$0x3FDB];
	s0 =	simm.s32 @p2 $0x1  }
0x17: {  	s4 =	simm.s32 $0x1BF5;
	[smem:$0x3FB8] =	sst s0  }
0x18: {  	s0 =	sld [smem:$0x3F9B];
	_ =	swait.ge [sflag:s4], $0x0  }
0x19: {  	s7 =	sld [smem:$0x3F9C]  }
0x1a: {  	s8 =	sadd.s32 $0xFFFFE003, lr  }
0x1b: {  	s9 =	sadd.s32 $0xFFFFFEF7, lr;
	s5 =	simm.s32 $0xFFFFFFFF;
	p2 =	slt.u32 s8, $0xFFFFF086  }
0x1c: {  	p1 =	slt.u32 s9, $0xF7A;
	s5 =	simm.s32 @!p2 $0x0  }
0x1d: {  	s5 =	simm.s32 @p1 $0x1;
	p0 =	seq.s32 s7, s2  }
0x1e: {  	s7 =	smul.u32 @!p0 $0xF7A, s2;
	p2 =	seq.s32 @!p0 s5, $0x0  }
0x1f: {  	s9 =	smul.u32 $0xF7A, s1;
	s8 =	simm.s32 @!p0 $0x1BF5;
	p2 =	por !p2, p0  }
0x20: {  	[sflag:s8] =	ssyncset.s32 @!p0 $0xFFFFF086;
	s6 =	sadd.s32 @!p0 s3, s7;
	s7 =	simm.s32 @!p0 $0x108  }
0x21: {  	s3 =	sadd.s32 s3, s9;
	s6 =	sadd.s32 @!p0 $0x88, s6;
	s7 =	simm.s32 @p2 $0x1082  }
0x22: {  	[simem:s7], [sflag:s8] =	dma.local @!p0 [hbm:s6], $0xF7A  }
0x23: {  	s9 =	sor.u32 $0xD0000000, s2;
	s6 =	simm.s32 $0x108;
	_ =	swait.ge @!p0 [sflag:s8], $0x0  }
0x24: {  	s3 =	sadd.s32 $0x88, s3;
	s6 =	simm.s32 @!p1 $0x1082;
	[sflag:s4] =	ssyncset.s32 $0xFFFFF086  }
0x25: {  	[simem:s6], [sflag:s4] =	dma.local [hbm:s3], $0xF7A  }
0x26: {  	[smem:$0x3F9C] =	sst s1;
	(tag) =	ssettag s2;
	_ =	strace s9  }
0x27: {  	s1 =	sld [smem:$0x3FAC]  }
0x28: {  	s2 =	sld [smem:$0x3FAD]  }
0x29: {  	s4 =	sld [smem:$0x3FAF]  }
0x2a: {  	p0 =	seq.s32 s5, $0x0;
	s5 =	sld [smem:$0x3FB0]  }
0x2b: {  	s6 =	sld [smem:$0x3FB1]  }
0x2c: {  	s7 =	sld [smem:$0x3FB2]  }
0x2d: {  	s3 =	simm.s32 $0x108;
	s8 =	sld [smem:$0x3FB3]  }
0x2e: {  	s3 =	simm.s32 @!p0 $0x1082;
	s9 =	sld [smem:$0x3FB4]  }
0x2f: {  	lr =	sadd.s32 s0, s3;
	s0 =	sld [smem:$0x3FAB]  }
0x30: {  	s3 =	sld [smem:$0x3FAE]  }
0x31: {  	[smem:$0x3FB7] =	sst s10  }
0x32: {  	s10 =	sld [smem:$0x3FB5];
	_ =	sdelay $0x3  }
0x33: {  	p0 =	seq.s32 s10, $0x1;
	s10 =	sld [smem:$0x3FB7];
	_ =	sdelay $0x3  }
0x34: {  	[smem:$0x3FB7] =	sst s10  }
0x35: {  	s10 =	sld [smem:$0x3FB6];
	_ =	sdelay $0x3  }
0x36: {  	p1 =	seq.s32 s10, $0x1;
	s10 =	sld [smem:$0x3FB7];
	_ =	sdelay $0x3  }
0x37: {  	[smem:$0x3FB7] =	sst s10  }
0x38: {  	s10 =	sld [smem:$0x3FB8]  }
0x39: {  	_ = 	snop;
	(pc) =	sbr.ind lr, $3  }
0x3a: {  	_ = 	snop  }
0x3b: {  	_ = 	snop  }
0x3c: {  	p2 =	seq.s32 s10, $0x1;
	s10 =	sld [smem:$0x3FB7]  }
0x3d: {  	_ =	shalt  }
0x3e: {  	_ =	shalt  }
0x3f: {  	_ =	shalt  }
0x40: {  	_ =	shalt  }
0x41: {  	_ =	shalt  }
0x42: {  	_ =	shalt  }
0x43: {  	_ =	shalt  }
0x44: {  	_ =	shalt  }
0x45: {  	_ =	shalt  }
0x46: {  	_ =	shalt  }
0x47: {  	_ =	shalt  }
0x48: {  	_ =	shalt  }
0x49: {  	_ =	shalt  }
0x4a: {  	_ =	shalt  }
0x4b: {  	_ =	shalt  }
0x4c: {  	_ =	shalt  }
0x4d: {  	_ =	shalt  }
0x4e: {  	_ =	shalt  }
0x4f: {  	_ =	shalt  }
0x50: {  	_ =	shalt  }
0x51: {  	_ =	shalt  }
0x52: {  	_ =	shalt  }
0x53: {  	_ =	shalt  }
0x54: {  	_ =	shalt  }
0x55: {  	_ =	shalt  }
0x56: {  	_ =	shalt  }
0x57: {  	_ =	shalt  }
0x58: {  	_ =	shalt  }
0x59: {  	_ =	shalt  }
0x5a: {  	_ =	shalt  }
0x5b: {  	_ =	shalt  }
0x5c: {  	_ =	shalt  }
0x5d: {  	_ =	shalt  }
0x5e: {  	_ =	shalt  }
0x5f: {  	_ =	shalt  }
0x60: {  	_ =	shalt  }
0x61: {  	_ =	shalt  }
0x62: {  	_ =	shalt  }
0x63: {  	_ =	shalt  }
0x64: {  	_ =	shalt  }
0x65: {  	_ =	shalt  }
0x66: {  	_ =	shalt  }
0x67: {  	_ =	shalt  }
0x68: {  	_ =	shalt  }
0x69: {  	_ =	shalt  }
0x6a: {  	_ =	shalt  }
0x6b: {  	_ =	shalt  }
0x6c: {  	_ =	shalt  }
0x6d: {  	_ =	shalt  }
0x6e: {  	_ =	shalt  }
0x6f: {  	_ =	shalt  }
0x70: {  	_ =	shalt  }
0x71: {  	_ =	shalt  }
0x72: {  	_ =	shalt  }
0x73: {  	_ =	shalt  }
0x74: {  	_ =	shalt  }
0x75: {  	_ =	shalt  }
0x76: {  	_ =	shalt  }
0x77: {  	_ =	shalt  }
0x78: {  	_ =	shalt  }
0x79: {  	_ =	shalt  }
0x7a: {  	_ =	shalt  }
0x7b: {  	_ =	shalt  }
0x7c: {  	_ =	shalt  }
0x7d: {  	_ =	shalt  }
0x7e: {  	_ =	shalt  }
0x7f: {  	_ =	shalt  }
0x80: {  	_ =	shalt  }
0x81: {  	_ =	shalt  }
0x82: {  	_ =	shalt  }
0x83: {  	_ =	shalt  }
0x84: {  	_ =	shalt  }
0x85: {  	_ =	shalt  }
0x86: {  	_ =	shalt  }
0x87: {  	_ =	shalt  }
.Lfunc_end0:
.L_simem_size_0:
called_computation_lowered:
.L_overlay_start_0:
0x88: {  	s2 =	sld [smem:$0x3FD9]  }
0x89: {  	s3 =	sld [smem:$0x3FFE];
	_ =	sdelay $0x1  }
0x8a: {  	s1 =	srdreg.scid  }
0x8b: {  	s0 =	sand.u32 $0x1, s1  }
0x8c: {  	s17 =	sshll.u32 s0, $0xA;
	s2 =	sadd.s32 s3, s2  }
0x8d: {  	s2 =	sadd.s32 s2, s17  }
0x8e: {  	[smem:$0x3FC3] =	sst s2  }
0x8f: {  	_ = 	snop  }
0x90: {  	s2 =	sld [smem:$0x3FD0];
	(tm) =	ssettm $0x1  }
0x91: {  	s18 =	sld [smem:$0x3FFB];
	_ =	sdelay $0x3  }
0x92: {  	_ =	strace s18  }
0x93: {  	s3 =	sld [smem:$0x3FFC];
	_ =	sdelay $0x3  }
0x94: {  	_ =	strace s3  }
0x95: {  	s3 =	sld [smem:$0x3FFD];
	_ =	sdelay $0x3  }
0x96: {  	_ =	strace s3  }
0x97: {  	_ =	strace $0x8FFFFFFF  }
0x98: {  	s19 =	sld [smem:$0x3FDB];
	_ =	sdelay $0x1  }
0x99: {  	s4 =	simm.s32 $_scs_section_size  }
0x9a: {  	s5 =	simm.s32 $_size__tile_overlayer_lowered;
	s6 =	simm.s32 $_tile_overlayer_lowered  }
0x9b: {  	s22 =	simm.s32 $0x1BFF;
	s21 =	sshll.u32 s6, $0x1;
	s3 =	sadd.s32 s4, s19  }
0x9c: {  	s7 =	simm.s32 $0x0;
	s20 =	sshll.u32 s5, $0x1;
	s5 =	sadd.s32 s21, s3  }
0x9d: {  	[timem:s7], [sflag:s22] =	dma.local [hbm:s5], s20  }
0x9e: {  	_ =	swait.ge [sflag:s22], s20  }
0x9f: {  	s4 =	ssub.s32 $0x0, s20;
	[sflag:s22] =	ssyncset.done $0x0  }
0xa0: {  	[sflag:s22] =	ssyncadd.s32 s4;
	_ =	sdelay $0x1  }
0xa1: {  	s23 =	simm.s32 $0x1B8B  }
0xa2: {  	_ =	swait.ge [sflag:s23], $0x1  }
0xa3: {  	[sflag:s23] =	ssyncset.done $0x0  }
0xa4: {  	s25 =	simm.s32 $0x1B8E;
	s24 =	sld [smem:$0x3FFE];
	[sflag:s23] =	ssyncadd.s32 $0xFFFFFFFF  }
0xa5: {  	s26 =	simm.s32 $execute0_lowered;
	[smem:$0x3FD2] =	sst s25  }
0xa6: {  	s5 =	sshll.u32 s26, $0x1;
	_ =	strace $0x80000046;
	[dreg:$0x1] =	wrdreg $0xFFFFFFFF  }
0xa7: {  	s28 =	simm.s32 $_size_execute0_lowered;
	s3 =	sadd.s32 s3, s5;
	[dreg:$0x0] =	wrdreg $0x0  }
0xa8: {  	s5 =	sshll.u32 s28, $0x1;
	[dreg:$0x2] =	wrdreg s3  }
0xa9: {  	[dreg:$0x3] =	wrdreg s5  }
0xaa: {  	[dreg:$0x4] =	wrdreg $0xC0  }
0xab: {  	_ =	task [dreg:s7], $0x5FFFF  }
0xac: {  	[dreg:$0x1] =	wrdreg $0xFFFFFFFF  }
0xad: {  	[dreg:$0x0] =	wrdreg $0x60  }
0xae: {  	[dreg:$0x2] =	wrdreg s24  }
0xaf: {  	[dreg:$0x3] =	wrdreg s2  }
0xb0: {  	[dreg:$0x4] =	wrdreg $0xA0C00  }
0xb1: {  	[dreg:$0x5] =	wrdreg $0x9  }
0xb2: {  	_ =	task.clear_ibuf [dreg:s7], $0x6FFFF;
	_ =	strace $0x90000046  }
0xb3: {  	s29 =	simm.s32 $0x9;
	_ =	strace $0x80000048  }
0xb4: {  	_ =	swait.ge [sflag:s29], $0x1  }
0xb5: {  	[sflag:s29] =	ssyncadd.s32 $0xFFFFFFFF  }
0xb6: {  	_ =	strace $0x90000048  }
0xb7: {  	_ =	sfence  }
0xb8: {  	s30 =	sld [smem:$0x0];
	_ =	sdelay $0x2  }
0xb9: {  	s31 =	sshll.u32 s1, $0xD;
	s1 =	sshrl.u32 s1, $0x2  }
0xba: {  	s3 =	sand.u32 $0x4000, s31;
	s1 =	sadd.s32 s1, s30  }
0xbb: {  	s0 =	sor.u32 s3, s0;
	s1 =	sshll.u32 s1, $0x11  }
0xbc: {  	s0 =	sor.u32 s1, s0  }
0xbd: {  	s0 =	sadd.s32 $0x8F2B, s0  }
0xbe: {  	[sflag:s0] =	ssyncadd.remote.s32 $0x1  }
0xbf: {  	_ =	sfence.sel $0xFFFF  }
0xc0: {  	[dreg:$0x0] =	wrdreg $0xFFFFFFFF;
	(pc) =	sbr.abs _section_cstart, $3  }
0xc1: {  	[dreg:$0x1] =	wrdreg $0xFFFFFFFF  }
0xc2: {  	_ =	task.clear_ibuf [dreg:s7], $0x2FFFF;
	_ =	strace $0x9FFFFFFF  }
0xc3: {  	(tm) =	ssettm $0x7FFFFFFF  }
tec
execute0_lowered:
.L_overlay_start_1:
0x0: {  	(tag) =	ssettag $0x1  }
0x1: {  	s0 =	rddreg [dreg:$0x0]  }
0x2: {  	s1 =	rddreg [dreg:$0x1]  }
0x3: {  	s2 =	rddreg [dreg:$0x2];
	s3 =	simm.s32 $0x0  }
0x4: {  	s12 =	stileid.u32;
	s6 =	srdreg.scid;
	s15 =	simm.s32 $0x8C0  }
0x5: {  	s16 =	simm.s32 $0x3;
	s17 =	simm.s32 $0x460;
	s18 =	simm.s32 $0x70  }
0x6: {  	s19 =	simm.s32 $0x78C0;
	s20 =	simm.s32 $0x40C0;
	s5 =	smul.u32 $0x4EC, s12  }
0x7: {  	s21 =	simm.s32 $0x1;
	s28 =	simm.s32 $0x150;
	s7 =	smul.u32 $0x4E400, s12  }
0x8: {  	s29 =	simm.s32 $0x540;
	s30 =	simm.s32 $0x1C0;
	s8 =	smul.u32 $0x500, s12  }
0x9: {  	s31 =	simm.s32 $0x5B0;
	s6 =	sand.u32 $0x1, s6;
	s25 =	smul.u32 $0x13900, s12  }
0xa: {  	[smem:$0x7FF] =	sst s3;
	s4 =	sadd.s32 $0xAC00, s0;
	s10 =	smul.u32 $0x27200, s6  }
0xb: {  	_ =	strace $0x80000047;
	s9 =	ssub.s32 $0x2, s6;
	s23 =	smul.u32 $0x4EC0, s6  }
0xc: {  	p0 =	sne.s32 s6, $0x0;
	s6 =	simm.s32 $0x2A0;
	s5 =	sadd.s32 s5, s0  }
0xd: {  	s7 =	sshrl.u32 s7, $0x2;
	s11 =	sshrl.u32 s9, $0x1;
	s0 =	sadd.s32 s8, s0  }
0xe: {  	s12 =	sshrl.u32 s25, $0x3;
	s8 =	simm.s32 $0x310;
	s0 =	sadd.s32 $0x5DE00, s0  }
0xf: {  	s13 =	sadd.s32 s7, s2;
	s26 =	ssub.s32 s9, s11;
	[dreg:$0x6] =	wrdreg s0  }
0x10: {  	s1 =	sadd.s32 s1, s10;
	s11 =	sadd.s32 $0x11800, s13;
	[dreg:$0x4] =	wrdreg s13  }
0x11: {  	s7 =	sadd.s32 s25, s2;
	s22 =	smax.u32 s26, $0x1;
	[dreg:$0x5] =	wrdreg s11  }
0x12: {  	s9 =	simm.s32 $0x700;
	s24 =	sadd.s32 $0x3800, s13;
	[dreg:$0x7] =	wrdreg s22  }
0x13: {  	s25 =	sadd.s32 $0x7000, s13;
	s26 =	sadd.s32 $0xA800, s13;
	[dreg:$0x8] =	wrdreg s24  }
0x14: {  	s10 =	sadd.s32 $0xE000, s13;
	s13 =	sadd.s32 $0x58E00, s5;
	[dreg:$0x9] =	wrdreg s25  }
0x15: {  	s0 =	sadd.s32 s23, s5;
	s23 =	simm.s32 $0x7E0;
	[dreg:$0xa] =	wrdreg s26  }
0x16: {  	[dreg:$0xb] =	wrdreg s10;
	s14 =	sadd.s32 $0xE00, s0;
	s11 =	sadd.s32 s12, s1  }
.Ltmp0:
0x17: {  	s24 =	simm.s32 $0x2;
	s12 =	sshrl.u32 s7, $0x3;
	(pc) =	sbr.rel .LBB2_1-.Ltmp0, $4  }
0x18: {  	s26 =	simm.s32 $0x4D0;
	s0 =	simm.s32 $0x230;
	s1 =	simm.s32 $0x620  }
0x19: {  	s7 =	simm.s32 $0x690;
	s10 =	simm.s32 $0x380;
	[dreg:$0xc] =	wrdreg s11  }
0x1a: {  	s25 =	simm.s32 $0x850;
	s22 =	simm.s32 $0x0;
	[dreg:$0xd] =	wrdreg s12  }
0x1b: {  	v0 =	vimm.f32 $0.0e+00;
	v1 =	vimm.f32 $1.000000000e+00;
	s11 =	simm.s32 $0x770;
	s12 =	simm.s32 $0x3F0;
	[dreg:$0xe] =	wrdreg s22  }
.LBB2_9:
0x1c: {  	s5 =	stileid.u32;
	[bflag:$0x0] =	sbarrier.arrive $0xFFFF  }
0x1d: {  	s5 =	sshll.u32 s5, $0x6;
	s22 =	rddreg [dreg:$0xc]  }
0x1e: {  	s26 =	rddreg [dreg:$0xd];
	s5 =	sor.u32 $0x1C03, s5  }
0x1f: {  	[hbm:s22], [sflag:s5] =	dma.local [spmem:s26], $0x2720  }
0x20: {  	_ =	swait.ge [sflag:s16], $0x2720  }
0x21: {  	s28 =	simm.s32 @!p0 $0x0;
	[sflag:s16] =	ssyncset.done $0x0  }
0x22: {  	s22 =	simm.s32 @!p0 $0x78C0;
	s5 =	rddreg [dreg:$0x6];
	[sflag:s16] =	ssyncadd.s32 $0xFFFFD8E0  }
0x23: {  	[hbm4b:s5+s28] =	stream.linear.scatter @!p0 [tilespmem:s22], [sflag:$0x3], $0x2800, $0x38;
	[tilespmem:$0x1D9C0] =	vst v63  }
0x24: {  	s5 =	simm.s32 @!p0 $0x3  }
0x25: {  	_ =	swait.ge @!p0 [sflag:s5], $0x2800  }
0x26: {  	s28 =	rddreg [dreg:$0xe]  }
0x27: {  	s22 =	rddreg [dreg:$0x7];
	s28 =	sadd.s32 $0x1, s28  }
0x28: {  	p1 =	sne.s32 s28, s22  }
.Ltmp1:
0x29: {  	_ = 	snop;
	(pc) =	sbr.rel @!p1 .LBB2_10-.Ltmp1, $3  }
0x2a: {  	_ =	sdelay $0x1  }
0x2b: {  	s26 =	simm.s32 $0x4D0;
	[sflag:s5] =	ssyncset.done @!p0 $0x0  }
0x2c: {  	[sflag:s5] =	ssyncadd.s32 @!p0 $0xFFFFD800;
	[dreg:$0xe] =	wrdreg s28;
	s28 =	simm.s32 $0x150  }
.LBB2_1:
0x2d: {  	s5 =	simm.s32 $0x70;
	s22 =	simm.s32 $0x3C0  }
.LBB2_2:
0x2e: {  	p1 =	sne.s32 s22, $0xDFC0;
	[tilespmem:s5+$0x8C0] =	vst v0  }
0x2f: {  	[tilespmem:s5+$0x850] =	vst v0  }
0x30: {  	[tilespmem:s5+$0x860] =	vst v0  }
.Ltmp2:
0x31: {  	[tilespmem:s5+$0x870] =	vst v0;
	(pc) =	sbr.rel @p1 .LBB2_2-.Ltmp2, $4  }
0x32: {  	[tilespmem:s5+$0x880] =	vst v0  }
0x33: {  	[tilespmem:s5+$0x890] =	vst v0  }
0x34: {  	[tilespmem:s5+$0x8A0] =	vst v0  }
0x35: {  	[tilespmem:s5+$0x8B0] =	vst v0;
	s5 =	sshra.s32 s22, $0x2;
	s22 =	sadd.s32 $0x200, s22  }
0x36: {  	[tilespmem:s5+$0x8C0] =	vst v0  }
0x37: {  	[tilespmem:s5+$0x850] =	vst v0  }
0x38: {  	[tilespmem:s5+$0x860] =	vst v0  }
0x39: {  	[tilespmem:s5+$0x870] =	vst v0  }
0x3a: {  	[tilespmem:s5+$0x880] =	vst v0  }
0x3b: {  	[tilespmem:s5+$0x890] =	vst v0  }
0x3c: {  	[tilespmem:s5+$0x8A0] =	vst v0  }
0x3d: {  	[tilespmem:s5+$0x8B0] =	vst v0;
	s5 =	simm.s32 $0x40;
	s22 =	simm.s32 $0x0  }
.LBB2_4:
0x3e: {  	p1 =	sne.s32 s5, $0x9FC0;
	[tilespmem:s22+$0x78C0] =	vst v0;
	s22 =	smov.u32 s5;
	s5 =	sadd.s32 $0x40, s5  }
.Ltmp3:
0x3f: {  	(pc) =	sbr.rel @p1 .LBB2_4-.Ltmp3, $2  }
0x40: {  	_ =	sdelay $0x2  }
0x41: {  	s22 =	sshra.s32 s22, $0x2  }
0x42: {  	[tilespmem:s22+$0x78C0] =	vst v0;
	s5 =	rddreg [dreg:$0x4]  }
0x43: {  	[spmem:s5] =	stream.linear.scatter [tilespmem:s15], [sflag:$0x3], $0x3800, $0x38;
	[tilespmem:$0x1D9C0] =	vst v63  }
0x44: {  	_ =	swait.ge [sflag:s16], $0x3800  }
0x45: {  	[sflag:s16] =	ssyncset.done $0x0  }
0x46: {  	s22 =	rddreg [dreg:$0x8];
	[sflag:s16] =	ssyncadd.s32 $0xFFFFC800  }
0x47: {  	[spmem:s22] =	stream.linear.scatter [tilespmem:s15], [sflag:$0x3], $0x3800, $0x38;
	[tilespmem:$0x1D9C0] =	vst v63  }
0x48: {  	_ =	swait.ge [sflag:s16], $0x3800  }
0x49: {  	[sflag:s16] =	ssyncset.done $0x0  }
0x4a: {  	s22 =	rddreg [dreg:$0x9];
	[sflag:s16] =	ssyncadd.s32 $0xFFFFC800  }
0x4b: {  	[spmem:s22] =	stream.linear.scatter [tilespmem:s15], [sflag:$0x3], $0x3800, $0x38;
	[tilespmem:$0x1D9C0] =	vst v63  }
0x4c: {  	_ =	swait.ge [sflag:s16], $0x3800  }
0x4d: {  	[sflag:s16] =	ssyncset.done $0x0  }
0x4e: {  	s22 =	rddreg [dreg:$0xa];
	[sflag:s16] =	ssyncadd.s32 $0xFFFFC800  }
0x4f: {  	[spmem:s22] =	stream.linear.scatter [tilespmem:s15], [sflag:$0x3], $0x3800, $0x38;
	[tilespmem:$0x1D9C0] =	vst v63  }
0x50: {  	_ =	swait.ge [sflag:s16], $0x3800  }
0x51: {  	[sflag:s16] =	ssyncset.done $0x0  }
0x52: {  	s22 =	rddreg [dreg:$0xb];
	[sflag:s16] =	ssyncadd.s32 $0xFFFFC800  }
0x53: {  	[spmem:s22] =	stream.linear.scatter [tilespmem:s15], [sflag:$0x3], $0x3800, $0x38;
	[tilespmem:$0x1D9C0] =	vst v63  }
0x54: {  	_ =	swait.ge [sflag:s16], $0x3800  }
0x55: {  	[sflag:s16] =	ssyncset.done $0x0  }
0x56: {  	s22 =	rddreg [dreg:$0x5];
	[sflag:s16] =	ssyncadd.s32 $0xFFFFC800  }
0x57: {  	[spmem:s22] =	stream.linear.scatter [tilespmem:s15], [sflag:$0x3], $0x2100, $0x38;
	[tilespmem:$0x1D9C0] =	vst v63  }
.Ltmp4:
0x58: {  	_ =	swait.ge [sflag:s16], $0x2100;
	(pc) =	sbr.rel .LBB2_6-.Ltmp4, $4  }
0x59: {  	[sflag:s16] =	ssyncset.done $0x0  }
0x5a: {  	[sflag:s16] =	ssyncadd.s32 $0xFFFFDF00  }
0x5b: {  	[bflag:$0x0] =	sbarrier.arrive $0xFFFF  }
0x5c: {  	s5 =	simm.s32 $0x0  }
.LBB2_8:
0x5d: {  	[tilespmem:s20], [sflag:$0x2] =	stream.indirect.gather [hbm4b:s4+s18], $0x80, s18, s18, $0xb8;
	[tilespmem:$0x1D9C0] =	vst v63  }
0x5e: {  	_ =	swait.ge [sflag:s21], $0x3800  }
0x5f: {  	[sflag:s21] =	ssyncset.done $0x0  }
0x60: {  	[sflag:s21] =	ssyncadd.s32 $0xFFFFC800  }
0x61: {  	[spmem:s2] =	stream.indirect.scatter.add.f32 [tilespmem:s15], [sflag:$0x3], $0x80, s17, s18, $0xb8;
	[tilespmem:$0x1D9C0] =	vst v63  }
0x62: {  	_ =	swait.ge [sflag:s16], $0x3800  }
0x63: {  	[sflag:s16] =	ssyncset.done $0x0  }
0x64: {  	s22 =	simm.s32 $0xE0;
	[sflag:s16] =	ssyncadd.s32 $0xFFFFC800  }
0x65: {  	[tilespmem:s15], [sflag:$0x1] =	stream.indirect.gather [hbm4b:s4+s18], $0x80, s22, s18, $0xb8;
	[tilespmem:$0x1D9C0] =	vst v63  }
0x66: {  	_ =	swait.ge [sflag:s24], $0x3800  }
0x67: {  	[sflag:s24] =	ssyncset.done $0x0  }
0x68: {  	[sflag:s24] =	ssyncadd.s32 $0xFFFFC800  }
0x69: {  	[spmem:s2] =	stream.indirect.scatter.add.f32 [tilespmem:s20], [sflag:$0x3], $0x80, s26, s18, $0xb8;
	[tilespmem:$0x1D9C0] =	vst v63  }
0x6a: {  	_ =	swait.ge [sflag:s16], $0x3800  }
0x6b: {  	[sflag:s16] =	ssyncset.done $0x0  }
0x6c: {  	[sflag:s16] =	ssyncadd.s32 $0xFFFFC800  }
0x6d: {  	[tilespmem:s20], [sflag:$0x2] =	stream.indirect.gather [hbm4b:s4+s18], $0x80, s28, s18, $0xb8;
	[tilespmem:$0x1D9C0] =	vst v63  }
0x6e: {  	_ =	swait.ge [sflag:s21], $0x3800  }
0x6f: {  	[sflag:s21] =	ssyncset.done $0x0  }
0x70: {  	[sflag:s21] =	ssyncadd.s32 $0xFFFFC800  }
0x71: {  	[spmem:s2] =	stream.indirect.scatter.add.f32 [tilespmem:s15], [sflag:$0x3], $0x80, s29, s18, $0xb8;
	[tilespmem:$0x1D9C0] =	vst v63  }
0x72: {  	_ =	swait.ge [sflag:s16], $0x3800  }
0x73: {  	[sflag:s16] =	ssyncset.done $0x0  }
0x74: {  	[sflag:s16] =	ssyncadd.s32 $0xFFFFC800  }
0x75: {  	[tilespmem:s15], [sflag:$0x1] =	stream.indirect.gather [hbm4b:s4+s18], $0x80, s30, s18, $0xb8;
	[tilespmem:$0x1D9C0] =	vst v63  }
0x76: {  	_ =	swait.ge [sflag:s24], $0x3800  }
0x77: {  	[sflag:s24] =	ssyncset.done $0x0  }
0x78: {  	[sflag:s24] =	ssyncadd.s32 $0xFFFFC800  }
0x79: {  	[spmem:s2] =	stream.indirect.scatter.add.f32 [tilespmem:s20], [sflag:$0x3], $0x80, s31, s18, $0xb8;
	[tilespmem:$0x1D9C0] =	vst v63  }
0x7a: {  	_ =	swait.ge [sflag:s16], $0x3800  }
0x7b: {  	[sflag:s16] =	ssyncset.done $0x0  }
0x7c: {  	[sflag:s16] =	ssyncadd.s32 $0xFFFFC800  }
0x7d: {  	[tilespmem:s20], [sflag:$0x2] =	stream.indirect.gather [hbm4b:s4+s18], $0x80, s0, s18, $0xb8;
	[tilespmem:$0x1D9C0] =	vst v63  }
0x7e: {  	_ =	swait.ge [sflag:s21], $0x3800  }
0x7f: {  	[sflag:s21] =	ssyncset.done $0x0  }
0x80: {  	[sflag:s21] =	ssyncadd.s32 $0xFFFFC800  }
0x81: {  	[spmem:s2] =	stream.indirect.scatter.add.f32 [tilespmem:s15], [sflag:$0x3], $0x80, s1, s18, $0xb8;
	[tilespmem:$0x1D9C0] =	vst v63  }
0x82: {  	_ =	swait.ge [sflag:s16], $0x3800  }
0x83: {  	[sflag:s16] =	ssyncset.done $0x0  }
0x84: {  	[sflag:s16] =	ssyncadd.s32 $0xFFFFC800  }
0x85: {  	[tilespmem:s15], [sflag:$0x1] =	stream.indirect.gather [hbm4b:s4+s18], $0x80, s6, s18, $0xb8;
	[tilespmem:$0x1D9C0] =	vst v63  }
0x86: {  	_ =	swait.ge [sflag:s24], $0x3800  }
0x87: {  	[sflag:s24] =	ssyncset.done $0x0  }
0x88: {  	[sflag:s24] =	ssyncadd.s32 $0xFFFFC800  }
0x89: {  	[spmem:s2] =	stream.indirect.scatter.add.f32 [tilespmem:s20], [sflag:$0x3], $0x80, s7, s18, $0xb8;
	[tilespmem:$0x1D9C0] =	vst v63  }
0x8a: {  	_ =	swait.ge [sflag:s16], $0x3800  }
0x8b: {  	[sflag:s16] =	ssyncset.done $0x0  }
0x8c: {  	[sflag:s16] =	ssyncadd.s32 $0xFFFFC800  }
0x8d: {  	[tilespmem:s20], [sflag:$0x2] =	stream.indirect.gather [hbm4b:s4+s18], $0x80, s8, s18, $0xb8;
	[tilespmem:$0x1D9C0] =	vst v63  }
0x8e: {  	_ =	swait.ge [sflag:s21], $0x3800  }
0x8f: {  	[sflag:s21] =	ssyncset.done $0x0  }
0x90: {  	[sflag:s21] =	ssyncadd.s32 $0xFFFFC800  }
0x91: {  	[spmem:s2] =	stream.indirect.scatter.add.f32 [tilespmem:s15], [sflag:$0x3], $0x80, s9, s18, $0xb8;
	[tilespmem:$0x1D9C0] =	vst v63  }
0x92: {  	_ =	swait.ge [sflag:s16], $0x3800  }
0x93: {  	[sflag:s16] =	ssyncset.done $0x0  }
0x94: {  	[sflag:s16] =	ssyncadd.s32 $0xFFFFC800  }
0x95: {  	[tilespmem:s15], [sflag:$0x1] =	stream.indirect.gather [hbm4b:s4+s18], $0x80, s10, s18, $0xb8;
	[tilespmem:$0x1D9C0] =	vst v63  }
0x96: {  	_ =	swait.ge [sflag:s24], $0x3800  }
0x97: {  	[sflag:s24] =	ssyncset.done $0x0  }
0x98: {  	[sflag:s24] =	ssyncadd.s32 $0xFFFFC800  }
0x99: {  	[spmem:s2] =	stream.indirect.scatter.add.f32 [tilespmem:s20], [sflag:$0x3], $0x80, s11, s18, $0xb8;
	[tilespmem:$0x1D9C0] =	vst v63  }
0x9a: {  	_ =	swait.ge [sflag:s16], $0x3800  }
0x9b: {  	[sflag:s16] =	ssyncset.done $0x0  }
0x9c: {  	[sflag:s16] =	ssyncadd.s32 $0xFFFFC800  }
0x9d: {  	[tilespmem:s20], [sflag:$0x2] =	stream.indirect.gather [hbm4b:s4+s18], $0x80, s12, s18, $0xb8;
	[tilespmem:$0x1D9C0] =	vst v63  }
0x9e: {  	_ =	swait.ge [sflag:s21], $0x3800  }
0x9f: {  	[sflag:s21] =	ssyncset.done $0x0  }
0xa0: {  	[sflag:s21] =	ssyncadd.s32 $0xFFFFC800  }
0xa1: {  	[spmem:s2] =	stream.indirect.scatter.add.f32 [tilespmem:s15], [sflag:$0x3], $0x80, s23, s18, $0xb8;
	[tilespmem:$0x1D9C0] =	vst v63  }
0xa2: {  	_ =	swait.ge [sflag:s16], $0x3800  }
0xa3: {  	[sflag:s16] =	ssyncset.done $0x0  }
0xa4: {  	[sflag:s16] =	ssyncadd.s32 $0xFFFFC800  }
0xa5: {  	s5 =	sadd.s32 $0x8C, s5;
	_ =	swait.ge [sflag:s24], $0x3800  }
0xa6: {  	p1 =	sne.s32 s5, $0x4EC;
	[sflag:s24] =	ssyncset.done $0x0  }
.Ltmp5:
0xa7: {  	[sflag:s24] =	ssyncadd.s32 $0xFFFFC800;
	(pc) =	sbr.rel @!p1 .LBB2_9-.Ltmp5, $4  }
0xa8: {  	[spmem:s2] =	stream.indirect.scatter.add.f32 [tilespmem:s20], [sflag:$0x3], $0x80, s25, s18, $0xb8;
	[tilespmem:$0x1D9C0] =	vst v63  }
0xa9: {  	_ =	swait.ge [sflag:s16], $0x3800  }
0xaa: {  	[sflag:s16] =	ssyncset.done $0x0  }
0xab: {  	[sflag:s16] =	ssyncadd.s32 $0xFFFFC800  }
.LBB2_6:
0xac: {  	s22 =	sadd.s32 s5, s14  }
0xad: {  	[tilespmem:s3], [sflag:$0x3] =	stream.linear.gather [hbm4b:s22+s3], $0x460, $0x38;
	[tilespmem:$0x1D9C0] =	vst v63  }
0xae: {  	_ =	swait.ge [sflag:s16], $0x460  }
0xaf: {  	[sflag:s16] =	ssyncset.done $0x0  }
0xb0: {  	s22 =	sadd.s32 s5, s13;
	[sflag:s16] =	ssyncadd.s32 $0xFFFFFBA0  }
0xb1: {  	[tilespmem:s17], [sflag:$0x3] =	stream.linear.gather [hbm4b:s22+s3], $0x460, $0x38;
	[tilespmem:$0x1D9C0] =	vst v63  }
.Ltmp6:
0xb2: {  	_ = 	snop;
	(pc) =	sbr.rel @p0 .LBB2_8-.Ltmp6, $4  }
0xb3: {  	_ =	swait.ge [sflag:s16], $0x460  }
0xb4: {  	[sflag:s16] =	ssyncset.done $0x0  }
0xb5: {  	[sflag:s16] =	ssyncadd.s32 $0xFFFFFBA0  }
0xb6: {  	[tilespmem:s15], [sflag:$0x1] =	stream.indirect.gather [hbm4b:s4+s18], $0x80, s3, s18, $0xb8;
	[tilespmem:$0x1D9C0] =	vst v63  }
0xb7: {  	v2 =	vld [tilespmem:$0x460];
	_ =	sdelay $0x7  }
0xb8: {  	[tilespmem:v2+s19+$0x0] =	vst.idx.add.f32.msk $0xffff, v1  }
0xb9: {  	v2 =	vld [tilespmem:$0x470];
	_ =	sdelay $0x7  }
0xba: {  	[tilespmem:v2+s19+$0x0] =	vst.idx.add.f32.msk $0xffff, v1  }
0xbb: {  	v2 =	vld [tilespmem:$0x480];
	_ =	sdelay $0x7  }
0xbc: {  	[tilespmem:v2+s19+$0x0] =	vst.idx.add.f32.msk $0xffff, v1  }
0xbd: {  	v2 =	vld [tilespmem:$0x490];
	_ =	sdelay $0x7  }
0xbe: {  	[tilespmem:v2+s19+$0x0] =	vst.idx.add.f32.msk $0xffff, v1  }
0xbf: {  	v2 =	vld [tilespmem:$0x4A0];
	_ =	sdelay $0x7  }
0xc0: {  	[tilespmem:v2+s19+$0x0] =	vst.idx.add.f32.msk $0xffff, v1  }
0xc1: {  	v2 =	vld [tilespmem:$0x4B0];
	_ =	sdelay $0x7  }
0xc2: {  	[tilespmem:v2+s19+$0x0] =	vst.idx.add.f32.msk $0xffff, v1  }
0xc3: {  	v2 =	vld [tilespmem:$0x4C0];
	_ =	sdelay $0x7  }
0xc4: {  	[tilespmem:v2+s19+$0x0] =	vst.idx.add.f32.msk $0xffff, v1  }
0xc5: {  	v2 =	vld [tilespmem:$0x4D0];
	_ =	sdelay $0x7  }
0xc6: {  	[tilespmem:v2+s19+$0x0] =	vst.idx.add.f32.msk $0xffff, v1  }
0xc7: {  	v2 =	vld [tilespmem:$0x4E0];
	_ =	sdelay $0x7  }
0xc8: {  	[tilespmem:v2+s19+$0x0] =	vst.idx.add.f32.msk $0xffff, v1  }
0xc9: {  	v2 =	vld [tilespmem:$0x4F0];
	_ =	sdelay $0x7  }
0xca: {  	[tilespmem:v2+s19+$0x0] =	vst.idx.add.f32.msk $0xffff, v1  }
0xcb: {  	v2 =	vld [tilespmem:$0x500];
	_ =	sdelay $0x7  }
0xcc: {  	[tilespmem:v2+s19+$0x0] =	vst.idx.add.f32.msk $0xffff, v1  }
0xcd: {  	v2 =	vld [tilespmem:$0x510];
	_ =	sdelay $0x7  }
0xce: {  	[tilespmem:v2+s19+$0x0] =	vst.idx.add.f32.msk $0xffff, v1  }
0xcf: {  	v2 =	vld [tilespmem:$0x520];
	_ =	sdelay $0x7  }
0xd0: {  	[tilespmem:v2+s19+$0x0] =	vst.idx.add.f32.msk $0xffff, v1  }
0xd1: {  	v2 =	vld [tilespmem:$0x530];
	_ =	sdelay $0x7  }
0xd2: {  	[tilespmem:v2+s19+$0x0] =	vst.idx.add.f32.msk $0xffff, v1  }
0xd3: {  	v2 =	vld [tilespmem:$0x540];
	_ =	sdelay $0x7  }
0xd4: {  	[tilespmem:v2+s19+$0x0] =	vst.idx.add.f32.msk $0xffff, v1  }
0xd5: {  	v2 =	vld [tilespmem:$0x550];
	_ =	sdelay $0x7  }
0xd6: {  	[tilespmem:v2+s19+$0x0] =	vst.idx.add.f32.msk $0xffff, v1  }
0xd7: {  	v2 =	vld [tilespmem:$0x560];
	_ =	sdelay $0x7  }
0xd8: {  	[tilespmem:v2+s19+$0x0] =	vst.idx.add.f32.msk $0xffff, v1  }
0xd9: {  	v2 =	vld [tilespmem:$0x570];
	_ =	sdelay $0x7  }
0xda: {  	[tilespmem:v2+s19+$0x0] =	vst.idx.add.f32.msk $0xffff, v1  }
0xdb: {  	v2 =	vld [tilespmem:$0x580];
	_ =	sdelay $0x7  }
0xdc: {  	[tilespmem:v2+s19+$0x0] =	vst.idx.add.f32.msk $0xffff, v1  }
0xdd: {  	v2 =	vld [tilespmem:$0x590];
	_ =	sdelay $0x7  }
0xde: {  	[tilespmem:v2+s19+$0x0] =	vst.idx.add.f32.msk $0xffff, v1  }
0xdf: {  	v2 =	vld [tilespmem:$0x5A0];
	_ =	sdelay $0x7  }
0xe0: {  	[tilespmem:v2+s19+$0x0] =	vst.idx.add.f32.msk $0xffff, v1  }
0xe1: {  	v2 =	vld [tilespmem:$0x5B0];
	_ =	sdelay $0x7  }
0xe2: {  	[tilespmem:v2+s19+$0x0] =	vst.idx.add.f32.msk $0xffff, v1  }
0xe3: {  	v2 =	vld [tilespmem:$0x5C0];
	_ =	sdelay $0x7  }
0xe4: {  	[tilespmem:v2+s19+$0x0] =	vst.idx.add.f32.msk $0xffff, v1  }
0xe5: {  	v2 =	vld [tilespmem:$0x5D0];
	_ =	sdelay $0x7  }
0xe6: {  	[tilespmem:v2+s19+$0x0] =	vst.idx.add.f32.msk $0xffff, v1  }
0xe7: {  	v2 =	vld [tilespmem:$0x5E0];
	_ =	sdelay $0x7  }
0xe8: {  	[tilespmem:v2+s19+$0x0] =	vst.idx.add.f32.msk $0xffff, v1  }
0xe9: {  	v2 =	vld [tilespmem:$0x5F0];
	_ =	sdelay $0x7  }
0xea: {  	[tilespmem:v2+s19+$0x0] =	vst.idx.add.f32.msk $0xffff, v1  }
0xeb: {  	v2 =	vld [tilespmem:$0x600];
	_ =	sdelay $0x7  }
0xec: {  	[tilespmem:v2+s19+$0x0] =	vst.idx.add.f32.msk $0xffff, v1  }
0xed: {  	v2 =	vld [tilespmem:$0x610];
	_ =	sdelay $0x7  }
0xee: {  	[tilespmem:v2+s19+$0x0] =	vst.idx.add.f32.msk $0xffff, v1  }
0xef: {  	v2 =	vld [tilespmem:$0x620];
	_ =	sdelay $0x7  }
0xf0: {  	[tilespmem:v2+s19+$0x0] =	vst.idx.add.f32.msk $0xffff, v1  }
0xf1: {  	v2 =	vld [tilespmem:$0x630];
	_ =	sdelay $0x7  }
0xf2: {  	[tilespmem:v2+s19+$0x0] =	vst.idx.add.f32.msk $0xffff, v1  }
0xf3: {  	v2 =	vld [tilespmem:$0x640];
	_ =	sdelay $0x7  }
0xf4: {  	[tilespmem:v2+s19+$0x0] =	vst.idx.add.f32.msk $0xffff, v1  }
0xf5: {  	v2 =	vld [tilespmem:$0x650];
	_ =	sdelay $0x7  }
0xf6: {  	[tilespmem:v2+s19+$0x0] =	vst.idx.add.f32.msk $0xffff, v1  }
0xf7: {  	v2 =	vld [tilespmem:$0x660];
	_ =	sdelay $0x7  }
0xf8: {  	[tilespmem:v2+s19+$0x0] =	vst.idx.add.f32.msk $0xffff, v1  }
0xf9: {  	v2 =	vld [tilespmem:$0x670];
	_ =	sdelay $0x7  }
0xfa: {  	[tilespmem:v2+s19+$0x0] =	vst.idx.add.f32.msk $0xffff, v1  }
0xfb: {  	v2 =	vld [tilespmem:$0x680];
	_ =	sdelay $0x7  }
0xfc: {  	[tilespmem:v2+s19+$0x0] =	vst.idx.add.f32.msk $0xffff, v1  }
0xfd: {  	v2 =	vld [tilespmem:$0x690];
	_ =	sdelay $0x7  }
0xfe: {  	[tilespmem:v2+s19+$0x0] =	vst.idx.add.f32.msk $0xffff, v1  }
0xff: {  	v2 =	vld [tilespmem:$0x6A0];
	_ =	sdelay $0x7  }
0x100: {  	[tilespmem:v2+s19+$0x0] =	vst.idx.add.f32.msk $0xffff, v1  }
0x101: {  	v2 =	vld [tilespmem:$0x6B0];
	_ =	sdelay $0x7  }
0x102: {  	[tilespmem:v2+s19+$0x0] =	vst.idx.add.f32.msk $0xffff, v1  }
0x103: {  	v2 =	vld [tilespmem:$0x6C0];
	_ =	sdelay $0x7  }
0x104: {  	[tilespmem:v2+s19+$0x0] =	vst.idx.add.f32.msk $0xffff, v1  }
0x105: {  	v2 =	vld [tilespmem:$0x6D0];
	_ =	sdelay $0x7  }
0x106: {  	[tilespmem:v2+s19+$0x0] =	vst.idx.add.f32.msk $0xffff, v1  }
0x107: {  	v2 =	vld [tilespmem:$0x6E0];
	_ =	sdelay $0x7  }
0x108: {  	[tilespmem:v2+s19+$0x0] =	vst.idx.add.f32.msk $0xffff, v1  }
0x109: {  	v2 =	vld [tilespmem:$0x6F0];
	_ =	sdelay $0x7  }
0x10a: {  	[tilespmem:v2+s19+$0x0] =	vst.idx.add.f32.msk $0xffff, v1  }
0x10b: {  	v2 =	vld [tilespmem:$0x700];
	_ =	sdelay $0x7  }
0x10c: {  	[tilespmem:v2+s19+$0x0] =	vst.idx.add.f32.msk $0xffff, v1  }
0x10d: {  	v2 =	vld [tilespmem:$0x710];
	_ =	sdelay $0x7  }
0x10e: {  	[tilespmem:v2+s19+$0x0] =	vst.idx.add.f32.msk $0xffff, v1  }
0x10f: {  	v2 =	vld [tilespmem:$0x720];
	_ =	sdelay $0x7  }
0x110: {  	[tilespmem:v2+s19+$0x0] =	vst.idx.add.f32.msk $0xffff, v1  }
0x111: {  	v2 =	vld [tilespmem:$0x730];
	_ =	sdelay $0x7  }
0x112: {  	[tilespmem:v2+s19+$0x0] =	vst.idx.add.f32.msk $0xffff, v1  }
0x113: {  	v2 =	vld [tilespmem:$0x740];
	_ =	sdelay $0x7  }
0x114: {  	[tilespmem:v2+s19+$0x0] =	vst.idx.add.f32.msk $0xffff, v1  }
0x115: {  	v2 =	vld [tilespmem:$0x750];
	_ =	sdelay $0x7  }
0x116: {  	[tilespmem:v2+s19+$0x0] =	vst.idx.add.f32.msk $0xffff, v1  }
0x117: {  	v2 =	vld [tilespmem:$0x760];
	_ =	sdelay $0x7  }
0x118: {  	[tilespmem:v2+s19+$0x0] =	vst.idx.add.f32.msk $0xffff, v1  }
0x119: {  	v2 =	vld [tilespmem:$0x770];
	_ =	sdelay $0x7  }
0x11a: {  	[tilespmem:v2+s19+$0x0] =	vst.idx.add.f32.msk $0xffff, v1  }
0x11b: {  	v2 =	vld [tilespmem:$0x780];
	_ =	sdelay $0x7  }
0x11c: {  	[tilespmem:v2+s19+$0x0] =	vst.idx.add.f32.msk $0xffff, v1  }
0x11d: {  	v2 =	vld [tilespmem:$0x790];
	_ =	sdelay $0x7  }
0x11e: {  	[tilespmem:v2+s19+$0x0] =	vst.idx.add.f32.msk $0xffff, v1  }
0x11f: {  	v2 =	vld [tilespmem:$0x7A0];
	_ =	sdelay $0x7  }
0x120: {  	[tilespmem:v2+s19+$0x0] =	vst.idx.add.f32.msk $0xffff, v1  }
0x121: {  	v2 =	vld [tilespmem:$0x7B0];
	_ =	sdelay $0x7  }
0x122: {  	[tilespmem:v2+s19+$0x0] =	vst.idx.add.f32.msk $0xffff, v1  }
0x123: {  	v2 =	vld [tilespmem:$0x7C0];
	_ =	sdelay $0x7  }
0x124: {  	[tilespmem:v2+s19+$0x0] =	vst.idx.add.f32.msk $0xffff, v1  }
0x125: {  	v2 =	vld [tilespmem:$0x7D0];
	_ =	sdelay $0x7  }
0x126: {  	[tilespmem:v2+s19+$0x0] =	vst.idx.add.f32.msk $0xffff, v1  }
0x127: {  	v2 =	vld [tilespmem:$0x7E0];
	_ =	sdelay $0x7  }
0x128: {  	[tilespmem:v2+s19+$0x0] =	vst.idx.add.f32.msk $0xffff, v1  }
0x129: {  	v2 =	vld [tilespmem:$0x7F0];
	_ =	sdelay $0x7  }
0x12a: {  	[tilespmem:v2+s19+$0x0] =	vst.idx.add.f32.msk $0xffff, v1  }
0x12b: {  	v2 =	vld [tilespmem:$0x800];
	_ =	sdelay $0x7  }
0x12c: {  	[tilespmem:v2+s19+$0x0] =	vst.idx.add.f32.msk $0xffff, v1  }
0x12d: {  	v2 =	vld [tilespmem:$0x810];
	_ =	sdelay $0x7  }
0x12e: {  	[tilespmem:v2+s19+$0x0] =	vst.idx.add.f32.msk $0xffff, v1  }
0x12f: {  	v2 =	vld [tilespmem:$0x820];
	_ =	sdelay $0x7  }
0x130: {  	[tilespmem:v2+s19+$0x0] =	vst.idx.add.f32.msk $0xffff, v1  }
0x131: {  	v2 =	vld [tilespmem:$0x830];
	_ =	sdelay $0x7  }
0x132: {  	[tilespmem:v2+s19+$0x0] =	vst.idx.add.f32.msk $0xffff, v1  }
0x133: {  	v2 =	vld [tilespmem:$0x840];
	_ =	sdelay $0x7  }
0x134: {  	[tilespmem:v2+s19+$0x0] =	vst.idx.add.f32.msk $0xffff, v1  }
0x135: {  	v2 =	vld [tilespmem:$0x850];
	_ =	sdelay $0x7  }
0x136: {  	[tilespmem:v2+s19+$0x0] =	vst.idx.add.f32.msk $0xffff, v1  }
0x137: {  	v2 =	vld [tilespmem:$0x860];
	_ =	sdelay $0x7  }
0x138: {  	[tilespmem:v2+s19+$0x0] =	vst.idx.add.f32.msk $0xffff, v1  }
0x139: {  	v2 =	vld [tilespmem:$0x870];
	_ =	sdelay $0x7  }
0x13a: {  	[tilespmem:v2+s19+$0x0] =	vst.idx.add.f32.msk $0xffff, v1  }
0x13b: {  	v2 =	vld [tilespmem:$0x880];
	_ =	sdelay $0x7  }
0x13c: {  	[tilespmem:v2+s19+$0x0] =	vst.idx.add.f32.msk $0xffff, v1  }
0x13d: {  	v2 =	vld [tilespmem:$0x890];
	_ =	sdelay $0x7  }
0x13e: {  	[tilespmem:v2+s19+$0x0] =	vst.idx.add.f32.msk $0xffff, v1  }
0x13f: {  	v2 =	vld [tilespmem:$0x8A0];
	_ =	sdelay $0x7  }
0x140: {  	[tilespmem:v2+s19+$0x0] =	vst.idx.add.f32.msk $0xffff, v1  }
0x141: {  	v2 =	vld [tilespmem:$0x8B0];
	_ =	sdelay $0x3  }
.Ltmp7:
0x142: {  	_ = 	snop;
	(pc) =	sbr.rel .LBB2_8-.Ltmp7, $2  }
0x143: {  	_ =	sdelay $0x2  }
0x144: {  	[tilespmem:v2+s19+$0x0] =	vst.idx.add.f32.msk $0xffff, v1  }
.LBB2_10:
0x145: {  	_ =	sfence.sel $0x180000  }
0x146: {  	[bflag:$0x0] =	sbarrier.arrive $0xFFFF  }
0x147: {  	_ =	strace $0x90000047  }
0x148: {  	s0 =	stileid.u32;
	[bflag:$0x2] =	sbarrier.arrive $0xFFFF  }
0x149: {  	p0 =	sne.s32 s0, $0x0;
	s0 =	rddreg [dreg:$0x3]  }
0x14a: {  	s0 =	sadd.s32 @!p0 $0x100000, s0  }
0x14b: {  	[sflag:s0] =	ssyncadd.tile.s32 @!p0 $0x1;
	_ =	shalt  }
.Lfunc_end2:
_tile_overlayer_lowered:
.L_overlay_start_2:
0x14c: {  	(tag) =	ssettag $0x2  }
0x14d: {  	s0 =	rddreg [dreg:$0x0];
	s2 =	stileid.u32  }
0x14e: {  	s1 =	rddreg [dreg:$0x1];
	p0 =	sne.s32 s2, $0x0  }
0x14f: {  	s3 =	rddreg [dreg:$0x2];
	[bflag:$0x3] =	sbarrier.arrive $0xFFFF;
	s2 =	simm.s32 @!p0 $0x1C03  }
0x150: {  	[timem:s3], [sflag:s2] =	dma.local @!p0 [hbm:s0], s1  }
0x151: {  	s0 =	simm.s32 @!p0 $0x3  }
0x152: {  	_ =	swait.ge @!p0 [sflag:s0], s1  }
0x153: {  	s1 =	ssub.s32 @!p0 $0x0, s1;
	[sflag:s0] =	ssyncset.done @!p0 $0x0  }
0x154: {  	[sflag:s0] =	ssyncadd.s32 @!p0 s1  }
0x155: {  	[bflag:$0x3] =	sbarrier.arrive $0xFFFF  }
0x156: {  	_ =	shalt  }

</sc_bundles>
